<compile_context>
chip_gen: v7x
topology: tpu7x:2x2x1
jax: 0.10.2.dev20260603
libtpu: 0.0.44.dev20260713+nightly
codegen_flags: <defaults>
</compile_context>

<pallas_src>
import jax
import jax.numpy as jnp
from jax import lax
from jax.experimental import pallas as pl
from jax.experimental.pallas import tpu as pltpu
from jax.experimental.pallas import tpu_sc as plsc

B = 8
N = 2048
MC = 1024
NMC = N // MC
BIG = 2**30

HB = B // 2
NC = 2
NS = 16
NW = NC * NS
ROWS_PER_W = N // NW
GROUPS = ROWS_PER_W // 16


def _tc_score_body(x_ref, y_ref, o1_ref, o2_ref):
    mc = pl.program_id(1)
    xb = x_ref[0]
    yb = y_ref[0]
    xc = x_ref[0, pl.ds(mc * MC, MC), :]
    yc = y_ref[0, pl.ds(mc * MC, MC), :]
    nxb = jnp.sum(xb * xb, axis=1, keepdims=True)
    nyb = jnp.sum(yb * yb, axis=1, keepdims=True)
    ones_c = jnp.ones((MC, 1), jnp.float32)

    ya = jnp.concatenate([yb, -0.5 * nyb], axis=1)
    xc1 = jnp.concatenate([xc, ones_c], axis=1)
    sc1 = lax.dot_general(ya, xc1, (((1,), (1,)), ((), ())),
                          preferred_element_type=jnp.float32)
    o1_ref[...] = jnp.argmax(sc1, axis=0).astype(jnp.int32).reshape(1, 1, 1, MC)

    xa = jnp.concatenate([xb, -0.5 * nxb], axis=1)
    yc1 = jnp.concatenate([yc, ones_c], axis=1)
    sc2 = lax.dot_general(xa, yc1, (((1,), (1,)), ((), ())),
                          preferred_element_type=jnp.float32)
    o2_ref[...] = jnp.argmax(sc2, axis=0).astype(jnp.int32).reshape(1, 1, 1, MC)


def _sc_gather_body(xyf_hbm, d1_hbm, d2_hbm, out_hbm,
                    xys, i1, i2, res, sem):
    wid = lax.axis_index("s") * NC + lax.axis_index("c")
    row_base = wid * ROWS_PER_W

    mcw = row_base // MC
    off = row_base % MC
    cp = [
        pltpu.async_copy(xyf_hbm, xys, sem),
    ]
    for b in range(B):
        src = (b, mcw, 0, pl.ds(off, ROWS_PER_W))
        dst = pl.ds(b * ROWS_PER_W, ROWS_PER_W)
        cp.append(pltpu.async_copy(d1_hbm.at[src], i1.at[dst], sem))
        cp.append(pltpu.async_copy(d2_hbm.at[src], i2.at[dst], sem))
    for c in cp:
        c.wait()

    lane3 = lax.iota(jnp.int32, 16) * 3

    def one_direction(rbase, pbase, idx, b, ctx):
        total = jnp.zeros((16,), jnp.float32)
        for g in range(GROUPS):
            iv = idx[pl.ds(b * ROWS_PER_W + g * 16, 16)]
            wflat = pbase + iv * 3
            rflat = rbase + (row_base + g * 16) * 3 + lane3
            f5 = jnp.zeros((16,), jnp.float32)
            for d in range(3):
                w = plsc.load_gather(xys, [wflat + d])
                r = plsc.load_gather(xys, [rflat + d])
                a = jnp.abs(r - w)
                a2 = a * a
                f5 = f5 + a2 * a2 * a
            total = total + f5
        res[ctx, :] = total

    def per_batch(b, carry):
        xb = b * (3 * N)
        yb = B * N * 3 + b * (3 * N)
        one_direction(xb, yb, i1, b, b)
        one_direction(yb, xb, i2, b, b + B)
        return carry

    lax.fori_loop(0, B, per_batch, 0)
    pltpu.sync_copy(res, out_hbm.at[wid])


def _epilogue_body(parts_ref, out_ref):
    s = jnp.sum(parts_ref[...], axis=1, keepdims=True)
    out_ref[...] = jnp.sum(s ** 0.2, axis=(0, 1), keepdims=True) * (1.0 / B)


@jax.jit
def kernel(x, y):
    d1, d2 = pl.pallas_call(
        _tc_score_body,
        grid=(B, NMC),
        in_specs=[
            pl.BlockSpec((1, N, 3), lambda b, mc: (b, 0, 0)),
            pl.BlockSpec((1, N, 3), lambda b, mc: (b, 0, 0)),
        ],
        out_specs=[
            pl.BlockSpec((1, 1, 1, MC), lambda b, mc: (b, mc, 0, 0)),
            pl.BlockSpec((1, 1, 1, MC), lambda b, mc: (b, mc, 0, 0)),
        ],
        out_shape=[
            jax.ShapeDtypeStruct((B, NMC, 1, MC), jnp.int32),
            jax.ShapeDtypeStruct((B, NMC, 1, MC), jnp.int32),
        ],
        compiler_params=pltpu.CompilerParams(
            dimension_semantics=("arbitrary", "arbitrary")),
    )(x, y)

    xyf = jnp.concatenate([x.reshape(B * N * 3), y.reshape(B * N * 3)])

    mesh = plsc.VectorSubcoreMesh(core_axis_name="c", subcore_axis_name="s",
                                  num_cores=NC, num_subcores=NS)
    sc_call = pl.kernel(
        _sc_gather_body,
        out_type=jax.ShapeDtypeStruct((NW, 2 * B, 16), jnp.float32),
        mesh=mesh,
        compiler_params=pltpu.CompilerParams(needs_layout_passes=False),
        scratch_types=[
            pltpu.VMEM((2 * B * N * 3,), jnp.float32),
            pltpu.VMEM((B * ROWS_PER_W,), jnp.int32),
            pltpu.VMEM((B * ROWS_PER_W,), jnp.int32),
            pltpu.VMEM((2 * B, 16), jnp.float32),
            pltpu.SemaphoreType.DMA,
        ],
    )
    parts = sc_call(xyf, d1, d2)

    parts2 = jnp.transpose(parts, (1, 0, 2)).reshape(2 * B, NW * 16)
    out = pl.pallas_call(
        _epilogue_body,
        out_shape=jax.ShapeDtypeStruct((1, 1), jnp.float32),
    )(parts2)
    return out[0, 0]

# --- scband reference (transcript-rebuilt; emitter-appended) ---
"""Pipeline reference for scband-chamfer-loss-p-33646773796927 (READ-ONLY COPY).

The authoritative reference and input builder live on the scoring server;
editing this copy changes nothing except your own understanding.
"""

import jax, jax.numpy as jnp
import numpy as np


def setup_inputs(seed: int = 0) -> dict:
    key = jax.random.key(seed)
    k1, k2 = jax.random.split(key)
    x = jax.random.normal(k1, (8, 2048, 3), dtype=jnp.float32)
    y = jax.random.normal(k2, (8, 2048, 3), dtype=jnp.float32)
    return {"x": x, "y": y}


def _square_distance(src, dst):
    # dist[b,n,m] = ||src[b,n] - dst[b,m]||^2
    dist = -2.0 * jnp.einsum('bnd,bmd->bnm', src, dst)
    dist = dist + jnp.sum(src ** 2, axis=-1)[:, :, None]
    dist = dist + jnp.sum(dst ** 2, axis=-1)[:, None, :]
    return dist


def _pnorm(v, p, axis):
    return jnp.sum(jnp.abs(v) ** p, axis=axis) ** (1.0 / p)


def reference(x, y):
    p = 5
    dis = _square_distance(x, y)  # [B, N, M]
    # torch's .min(dim)[1] -> argmin (first occurrence on ties, same as jnp.argmin)
    dist1 = jnp.argmin(dis, axis=2)  # [B, N] nearest y index for each x point
    dist2 = jnpp_argmin(dis) if False else jnp.argmin(dis, axis=1)  # [B, M] nearest x index for each y point
    # torch gathers on transposed [B,3,N]; equivalent gather over points axis here
    pc1 = jnp.take_along_axis(y, dist1[:, :, None], axis=1)  # [B, N, 3]
    pc1 = _pnorm(x - pc1, p, axis=-1)  # [B, N] p-norm over coord dim
    pc2 = jnp.take_along_axis(x, dist2[:, :, None], axis=1)  # [B, M, 3]
    pc2 = _pnorm(y - pc2, p, axis=-1)  # [B, M]
    result2 = _pnorm(pc1, p, axis=-1) + _pnorm(pc2, p, axis=-1)  # [B]
    return jnp.mean(result2)

if __name__ == "__main__":
    import jax
    _d = setup_inputs()
    print(jax.jit(kernel)(*tuple(_d.values())))

</pallas_src>

<mosaic_0001>
#map = affine_map<(d0, d1) -> (0)>
#map1 = affine_map<(d0, d1) -> (0, 0, 0, 0)>
#map2 = affine_map<(d0, d1) -> (0, 0, 0)>
module attributes {stable_mosaic.version = 14 : i64} {
  func.func @_sc_gather_body(%arg0: i32, %arg1: i32, %arg2: memref<98304xf32, #tpu.memory_space<hbm>>, %arg3: memref<8x2x1x1024xi32, #tpu.memory_space<hbm>>, %arg4: memref<8x2x1x1024xi32, #tpu.memory_space<hbm>>, %arg5: memref<32x16x16xf32, #tpu.memory_space<hbm>>, %arg6: memref<98304xf32, #tpu.memory_space<vmem>>, %arg7: memref<512xi32, #tpu.memory_space<vmem>>, %arg8: memref<512xi32, #tpu.memory_space<vmem>>, %arg9: memref<16x16xf32, #tpu.memory_space<vmem>>, %arg10: memref<!tpu.dma_semaphore, #tpu.memory_space<semaphore_mem>>) attributes {dimension_semantics = [#tpu.dimension_semantics<core_parallel>, #tpu.dimension_semantics<subcore_parallel>], iteration_bounds = array<i64: 2, 16>, scalar_prefetch = 0 : i64, scratch_operands = 5 : i64, tpu.core_type = #tpu.core_type<sc_vector_subcore>, window_params = [{transform_indices = #map}, {transform_indices = #map1}, {transform_indices = #map1}, {transform_indices = #map2}]} {
    %mul3A = arith.constant 2 : i32
    %mul3A_0 = arith.muli %arg1, %mul3A : i32
    %add3A = arith.addi %mul3A_0, %arg0 : i32
    %mul3A_1 = arith.constant 64 : i32
    %mul3A_2 = arith.muli %add3A, %mul3A_1 : i32
    %jit3A = arith.constant 1024 : i32
    %div3A = arith.divsi %mul3A_2, %jit3A : i32
    %sign3A = arith.constant 0 : i32
    %sign3A_3 = arith.cmpi sgt, %mul3A_2, %sign3A : i32
    %sign3A_4 = arith.extui %sign3A_3 : i1 to i32
    %sign3A_5 = arith.constant 0 : i32
    %sign3A_6 = arith.cmpi slt, %mul3A_2, %sign3A_5 : i32
    %sign3A_7 = arith.extui %sign3A_6 : i1 to i32
    %sign3A_8 = arith.subi %sign3A_4, %sign3A_7 : i32
    %sign3A_9 = arith.constant 0 : i32
    %sign3A_10 = arith.cmpi sgt, %jit3A, %sign3A_9 : i32
    %sign3A_11 = arith.extui %sign3A_10 : i1 to i32
    %sign3A_12 = arith.constant 0 : i32
    %sign3A_13 = arith.cmpi slt, %jit3A, %sign3A_12 : i32
    %sign3A_14 = arith.extui %sign3A_13 : i1 to i32
    %sign3A_15 = arith.subi %sign3A_11, %sign3A_14 : i32
    %ne3A = arith.cmpi ne, %sign3A_8, %sign3A_15 : i32
    %rem3A = arith.remsi %mul3A_2, %jit3A : i32
    %ne3A_16 = arith.constant 0 : i32
    %ne3A_17 = arith.cmpi ne, %rem3A, %ne3A_16 : i32
    %and3A = arith.andi %ne3A, %ne3A_17 : i1
    %sub3A = arith.constant 1 : i32
    %sub3A_18 = arith.subi %div3A, %sub3A : i32
    %select_n3A = arith.select %and3A, %sub3A_18, %div3A : i32
    %jit3A_19 = arith.constant 1024 : i32
    %eq3A = arith.constant 0 : i32
    %eq3A_20 = arith.cmpi eq, %jit3A_19, %eq3A : i32
    %jit3A_21 = arith.constant 1 : i32
    %select_n3A_22 = arith.select %eq3A_20, %jit3A_21, %jit3A_19 : i32
    %rem3A_23 = arith.remsi %mul3A_2, %select_n3A_22 : i32
    %ne3A_24 = arith.constant 0 : i32
    %ne3A_25 = arith.cmpi ne, %rem3A_23, %ne3A_24 : i32
    %lt3A = arith.constant 0 : i32
    %lt3A_26 = arith.cmpi slt, %rem3A_23, %lt3A : i32
    %lt3A_27 = arith.constant 0 : i32
    %lt3A_28 = arith.cmpi slt, %select_n3A_22, %lt3A_27 : i32
    %ne3A_29 = arith.xori %lt3A_26, %lt3A_28 : i1
    %and3A_30 = arith.andi %ne3A_29, %ne3A_25 : i1
    %add3A_31 = arith.addi %rem3A_23, %select_n3A_22 : i32
    %select_n3A_32 = arith.select %and3A_30, %add3A_31, %rem3A_23 : i32
    tpu.enqueue_dma source(%arg2 : memref<98304xf32, #tpu.memory_space<hbm>>) target(%arg6 : memref<98304xf32, #tpu.memory_space<vmem>>) target_semaphore(%arg10 : memref<!tpu.dma_semaphore, #tpu.memory_space<semaphore_mem>>)
    %dma_start3A = arith.constant 0 : i32
    %dma_start3A_33 = arith.constant 0 : i32
    %dma_start3A_34 = arith.constant 0 : i32
    %dma_start3A_35 = tpu.memref_slice %arg7[%dma_start3A_34] : memref<512xi32, #tpu.memory_space<vmem>> -> memref<64xi32, #tpu.memory_space<vmem>>
    %dma_start3A_36 = tpu.memref_slice %arg3[%dma_start3A, %select_n3A, %dma_start3A_33, %select_n3A_32] : memref<8x2x1x1024xi32, #tpu.memory_space<hbm>> -> memref<1x1x1x64xi32, #tpu.memory_space<hbm>>
    %dma_start3A_37 = tpu.memref_squeeze %dma_start3A_36 : memref<1x1x1x64xi32, #tpu.memory_space<hbm>> -> memref<64xi32, #tpu.memory_space<hbm>>
    %dma_start3A_38 = arith.constant 0 : i32
    %dma_start3A_39 = tpu.memref_slice %arg7[%dma_start3A_38] : memref<512xi32, #tpu.memory_space<vmem>> -> memref<64xi32, #tpu.memory_space<vmem>>
    %dma_start3A_40 = tpu.memref_slice %arg3[%dma_start3A, %select_n3A, %dma_start3A_33, %select_n3A_32] : memref<8x2x1x1024xi32, #tpu.memory_space<hbm>> -> memref<1x1x1x64xi32, #tpu.memory_space<hbm>>
    %dma_start3A_41 = tpu.memref_squeeze %dma_start3A_40 : memref<1x1x1x64xi32, #tpu.memory_space<hbm>> -> memref<64xi32, #tpu.memory_space<hbm>>
    tpu.enqueue_dma source(%dma_start3A_41 : memref<64xi32, #tpu.memory_space<hbm>>) target(%dma_start3A_39 : memref<64xi32, #tpu.memory_space<vmem>>) target_semaphore(%arg10 : memref<!tpu.dma_semaphore, #tpu.memory_space<semaphore_mem>>)
    %dma_start3A_42 = arith.constant 0 : i32
    %dma_start3A_43 = arith.constant 0 : i32
    %dma_start3A_44 = arith.constant 0 : i32
    %dma_start3A_45 = tpu.memref_slice %arg8[%dma_start3A_44] : memref<512xi32, #tpu.memory_space<vmem>> -> memref<64xi32, #tpu.memory_space<vmem>>
    %dma_start3A_46 = tpu.memref_slice %arg4[%dma_start3A_42, %select_n3A, %dma_start3A_43, %select_n3A_32] : memref<8x2x1x1024xi32, #tpu.memory_space<hbm>> -> memref<1x1x1x64xi32, #tpu.memory_space<hbm>>
    %dma_start3A_47 = tpu.memref_squeeze %dma_start3A_46 : memref<1x1x1x64xi32, #tpu.memory_space<hbm>> -> memref<64xi32, #tpu.memory_space<hbm>>
    %dma_start3A_48 = arith.constant 0 : i32
    %dma_start3A_49 = tpu.memref_slice %arg8[%dma_start3A_48] : memref<512xi32, #tpu.memory_space<vmem>> -> memref<64xi32, #tpu.memory_space<vmem>>
    %dma_start3A_50 = tpu.memref_slice %arg4[%dma_start3A_42, %select_n3A, %dma_start3A_43, %select_n3A_32] : memref<8x2x1x1024xi32, #tpu.memory_space<hbm>> -> memref<1x1x1x64xi32, #tpu.memory_space<hbm>>
    %dma_start3A_51 = tpu.memref_squeeze %dma_start3A_50 : memref<1x1x1x64xi32, #tpu.memory_space<hbm>> -> memref<64xi32, #tpu.memory_space<hbm>>
    tpu.enqueue_dma source(%dma_start3A_51 : memref<64xi32, #tpu.memory_space<hbm>>) target(%dma_start3A_49 : memref<64xi32, #tpu.memory_space<vmem>>) target_semaphore(%arg10 : memref<!tpu.dma_semaphore, #tpu.memory_space<semaphore_mem>>)
    %dma_start3A_52 = arith.constant 1 : i32
    %dma_start3A_53 = arith.constant 0 : i32
    %dma_start3A_54 = arith.constant 64 : i32
    %dma_start3A_55 = tpu.memref_slice %arg7[%dma_start3A_54] : memref<512xi32, #tpu.memory_space<vmem>> -> memref<64xi32, #tpu.memory_space<vmem>>
    %dma_start3A_56 = tpu.memref_slice %arg3[%dma_start3A_52, %select_n3A, %dma_start3A_53, %select_n3A_32] : memref<8x2x1x1024xi32, #tpu.memory_space<hbm>> -> memref<1x1x1x64xi32, #tpu.memory_space<hbm>>
    %dma_start3A_57 = tpu.memref_squeeze %dma_start3A_56 : memref<1x1x1x64xi32, #tpu.memory_space<hbm>> -> memref<64xi32, #tpu.memory_space<hbm>>
    %dma_start3A_58 = arith.constant 64 : i32
    %dma_start3A_59 = tpu.memref_slice %arg7[%dma_start3A_58] : memref<512xi32, #tpu.memory_space<vmem>> -> memref<64xi32, #tpu.memory_space<vmem>>
    %dma_start3A_60 = tpu.memref_slice %arg3[%dma_start3A_52, %select_n3A, %dma_start3A_53, %select_n3A_32] : memref<8x2x1x1024xi32, #tpu.memory_space<hbm>> -> memref<1x1x1x64xi32, #tpu.memory_space<hbm>>
    %dma_start3A_61 = tpu.memref_squeeze %dma_start3A_60 : memref<1x1x1x64xi32, #tpu.memory_space<hbm>> -> memref<64xi32, #tpu.memory_space<hbm>>
    tpu.enqueue_dma source(%dma_start3A_61 : memref<64xi32, #tpu.memory_space<hbm>>) target(%dma_start3A_59 : memref<64xi32, #tpu.memory_space<vmem>>) target_semaphore(%arg10 : memref<!tpu.dma_semaphore, #tpu.memory_space<semaphore_mem>>)
    %dma_start3A_62 = arith.constant 1 : i32
    %dma_start3A_63 = arith.constant 0 : i32
    %dma_start3A_64 = arith.constant 64 : i32
    %dma_start3A_65 = tpu.memref_slice %arg8[%dma_start3A_64] : memref<512xi32, #tpu.memory_space<vmem>> -> memref<64xi32, #tpu.memory_space<vmem>>
    %dma_start3A_66 = tpu.memref_slice %arg4[%dma_start3A_62, %select_n3A, %dma_start3A_63, %select_n3A_32] : memref<8x2x1x1024xi32, #tpu.memory_space<hbm>> -> memref<1x1x1x64xi32, #tpu.memory_space<hbm>>
    %dma_start3A_67 = tpu.memref_squeeze %dma_start3A_66 : memref<1x1x1x64xi32, #tpu.memory_space<hbm>> -> memref<64xi32, #tpu.memory_space<hbm>>
    %dma_start3A_68 = arith.constant 64 : i32
    %dma_start3A_69 = tpu.memref_slice %arg8[%dma_start3A_68] : memref<512xi32, #tpu.memory_space<vmem>> -> memref<64xi32, #tpu.memory_space<vmem>>
    %dma_start3A_70 = tpu.memref_slice %arg4[%dma_start3A_62, %select_n3A, %dma_start3A_63, %select_n3A_32] : memref<8x2x1x1024xi32, #tpu.memory_space<hbm>> -> memref<1x1x1x64xi32, #tpu.memory_space<hbm>>
    %dma_start3A_71 = tpu.memref_squeeze %dma_start3A_70 : memref<1x1x1x64xi32, #tpu.memory_space<hbm>> -> memref<64xi32, #tpu.memory_space<hbm>>
    tpu.enqueue_dma source(%dma_start3A_71 : memref<64xi32, #tpu.memory_space<hbm>>) target(%dma_start3A_69 : memref<64xi32, #tpu.memory_space<vmem>>) target_semaphore(%arg10 : memref<!tpu.dma_semaphore, #tpu.memory_space<semaphore_mem>>)
    %dma_start3A_72 = arith.constant 2 : i32
    %dma_start3A_73 = arith.constant 0 : i32
    %dma_start3A_74 = arith.constant 128 : i32
    %dma_start3A_75 = tpu.memref_slice %arg7[%dma_start3A_74] : memref<512xi32, #tpu.memory_space<vmem>> -> memref<64xi32, #tpu.memory_space<vmem>>
    %dma_start3A_76 = tpu.memref_slice %arg3[%dma_start3A_72, %select_n3A, %dma_start3A_73, %select_n3A_32] : memref<8x2x1x1024xi32, #tpu.memory_space<hbm>> -> memref<1x1x1x64xi32, #tpu.memory_space<hbm>>
    %dma_start3A_77 = tpu.memref_squeeze %dma_start3A_76 : memref<1x1x1x64xi32, #tpu.memory_space<hbm>> -> memref<64xi32, #tpu.memory_space<hbm>>
    %dma_start3A_78 = arith.constant 128 : i32
    %dma_start3A_79 = tpu.memref_slice %arg7[%dma_start3A_78] : memref<512xi32, #tpu.memory_space<vmem>> -> memref<64xi32, #tpu.memory_space<vmem>>
    %dma_start3A_80 = tpu.memref_slice %arg3[%dma_start3A_72, %select_n3A, %dma_start3A_73, %select_n3A_32] : memref<8x2x1x1024xi32, #tpu.memory_space<hbm>> -> memref<1x1x1x64xi32, #tpu.memory_space<hbm>>
    %dma_start3A_81 = tpu.memref_squeeze %dma_start3A_80 : memref<1x1x1x64xi32, #tpu.memory_space<hbm>> -> memref<64xi32, #tpu.memory_space<hbm>>
    tpu.enqueue_dma source(%dma_start3A_81 : memref<64xi32, #tpu.memory_space<hbm>>) target(%dma_start3A_79 : memref<64xi32, #tpu.memory_space<vmem>>) target_semaphore(%arg10 : memref<!tpu.dma_semaphore, #tpu.memory_space<semaphore_mem>>)
    %dma_start3A_82 = arith.constant 2 : i32
    %dma_start3A_83 = arith.constant 0 : i32
    %dma_start3A_84 = arith.constant 128 : i32
    %dma_start3A_85 = tpu.memref_slice %arg8[%dma_start3A_84] : memref<512xi32, #tpu.memory_space<vmem>> -> memref<64xi32, #tpu.memory_space<vmem>>
    %dma_start3A_86 = tpu.memref_slice %arg4[%dma_start3A_82, %select_n3A, %dma_start3A_83, %select_n3A_32] : memref<8x2x1x1024xi32, #tpu.memory_space<hbm>> -> memref<1x1x1x64xi32, #tpu.memory_space<hbm>>
    %dma_start3A_87 = tpu.memref_squeeze %dma_start3A_86 : memref<1x1x1x64xi32, #tpu.memory_space<hbm>> -> memref<64xi32, #tpu.memory_space<hbm>>
    %dma_start3A_88 = arith.constant 128 : i32
    %dma_start3A_89 = tpu.memref_slice %arg8[%dma_start3A_88] : memref<512xi32, #tpu.memory_space<vmem>> -> memref<64xi32, #tpu.memory_space<vmem>>
    %dma_start3A_90 = tpu.memref_slice %arg4[%dma_start3A_82, %select_n3A, %dma_start3A_83, %select_n3A_32] : memref<8x2x1x1024xi32, #tpu.memory_space<hbm>> -> memref<1x1x1x64xi32, #tpu.memory_space<hbm>>
    %dma_start3A_91 = tpu.memref_squeeze %dma_start3A_90 : memref<1x1x1x64xi32, #tpu.memory_space<hbm>> -> memref<64xi32, #tpu.memory_space<hbm>>
    tpu.enqueue_dma source(%dma_start3A_91 : memref<64xi32, #tpu.memory_space<hbm>>) target(%dma_start3A_89 : memref<64xi32, #tpu.memory_space<vmem>>) target_semaphore(%arg10 : memref<!tpu.dma_semaphore, #tpu.memory_space<semaphore_mem>>)
    %dma_start3A_92 = arith.constant 3 : i32
    %dma_start3A_93 = arith.constant 0 : i32
    %dma_start3A_94 = arith.constant 192 : i32
    %dma_start3A_95 = tpu.memref_slice %arg7[%dma_start3A_94] : memref<512xi32, #tpu.memory_space<vmem>> -> memref<64xi32, #tpu.memory_space<vmem>>
    %dma_start3A_96 = tpu.memref_slice %arg3[%dma_start3A_92, %select_n3A, %dma_start3A_93, %select_n3A_32] : memref<8x2x1x1024xi32, #tpu.memory_space<hbm>> -> memref<1x1x1x64xi32, #tpu.memory_space<hbm>>
    %dma_start3A_97 = tpu.memref_squeeze %dma_start3A_96 : memref<1x1x1x64xi32, #tpu.memory_space<hbm>> -> memref<64xi32, #tpu.memory_space<hbm>>
    %dma_start3A_98 = arith.constant 192 : i32
    %dma_start3A_99 = tpu.memref_slice %arg7[%dma_start3A_98] : memref<512xi32, #tpu.memory_space<vmem>> -> memref<64xi32, #tpu.memory_space<vmem>>
    %dma_start3A_100 = tpu.memref_slice %arg3[%dma_start3A_92, %select_n3A, %dma_start3A_93, %select_n3A_32] : memref<8x2x1x1024xi32, #tpu.memory_space<hbm>> -> memref<1x1x1x64xi32, #tpu.memory_space<hbm>>
    %dma_start3A_101 = tpu.memref_squeeze %dma_start3A_100 : memref<1x1x1x64xi32, #tpu.memory_space<hbm>> -> memref<64xi32, #tpu.memory_space<hbm>>
    tpu.enqueue_dma source(%dma_start3A_101 : memref<64xi32, #tpu.memory_space<hbm>>) target(%dma_start3A_99 : memref<64xi32, #tpu.memory_space<vmem>>) target_semaphore(%arg10 : memref<!tpu.dma_semaphore, #tpu.memory_space<semaphore_mem>>)
    %dma_start3A_102 = arith.constant 3 : i32
    %dma_start3A_103 = arith.constant 0 : i32
    %dma_start3A_104 = arith.constant 192 : i32
    %dma_start3A_105 = tpu.memref_slice %arg8[%dma_start3A_104] : memref<512xi32, #tpu.memory_space<vmem>> -> memref<64xi32, #tpu.memory_space<vmem>>
    %dma_start3A_106 = tpu.memref_slice %arg4[%dma_start3A_102, %select_n3A, %dma_start3A_103, %select_n3A_32] : memref<8x2x1x1024xi32, #tpu.memory_space<hbm>> -> memref<1x1x1x64xi32, #tpu.memory_space<hbm>>
    %dma_start3A_107 = tpu.memref_squeeze %dma_start3A_106 : memref<1x1x1x64xi32, #tpu.memory_space<hbm>> -> memref<64xi32, #tpu.memory_space<hbm>>
    %dma_start3A_108 = arith.constant 192 : i32
    %dma_start3A_109 = tpu.memref_slice %arg8[%dma_start3A_108] : memref<512xi32, #tpu.memory_space<vmem>> -> memref<64xi32, #tpu.memory_space<vmem>>
    %dma_start3A_110 = tpu.memref_slice %arg4[%dma_start3A_102, %select_n3A, %dma_start3A_103, %select_n3A_32] : memref<8x2x1x1024xi32, #tpu.memory_space<hbm>> -> memref<1x1x1x64xi32, #tpu.memory_space<hbm>>
    %dma_start3A_111 = tpu.memref_squeeze %dma_start3A_110 : memref<1x1x1x64xi32, #tpu.memory_space<hbm>> -> memref<64xi32, #tpu.memory_space<hbm>>
    tpu.enqueue_dma source(%dma_start3A_111 : memref<64xi32, #tpu.memory_space<hbm>>) target(%dma_start3A_109 : memref<64xi32, #tpu.memory_space<vmem>>) target_semaphore(%arg10 : memref<!tpu.dma_semaphore, #tpu.memory_space<semaphore_mem>>)
    %dma_start3A_112 = arith.constant 4 : i32
    %dma_start3A_113 = arith.constant 0 : i32
    %dma_start3A_114 = arith.constant 256 : i32
    %dma_start3A_115 = tpu.memref_slice %arg7[%dma_start3A_114] : memref<512xi32, #tpu.memory_space<vmem>> -> memref<64xi32, #tpu.memory_space<vmem>>
    %dma_start3A_116 = tpu.memref_slice %arg3[%dma_start3A_112, %select_n3A, %dma_start3A_113, %select_n3A_32] : memref<8x2x1x1024xi32, #tpu.memory_space<hbm>> -> memref<1x1x1x64xi32, #tpu.memory_space<hbm>>
    %dma_start3A_117 = tpu.memref_squeeze %dma_start3A_116 : memref<1x1x1x64xi32, #tpu.memory_space<hbm>> -> memref<64xi32, #tpu.memory_space<hbm>>
    %dma_start3A_118 = arith.constant 256 : i32
    %dma_start3A_119 = tpu.memref_slice %arg7[%dma_start3A_118] : memref<512xi32, #tpu.memory_space<vmem>> -> memref<64xi32, #tpu.memory_space<vmem>>
    %dma_start3A_120 = tpu.memref_slice %arg3[%dma_start3A_112, %select_n3A, %dma_start3A_113, %select_n3A_32] : memref<8x2x1x1024xi32, #tpu.memory_space<hbm>> -> memref<1x1x1x64xi32, #tpu.memory_space<hbm>>
    %dma_start3A_121 = tpu.memref_squeeze %dma_start3A_120 : memref<1x1x1x64xi32, #tpu.memory_space<hbm>> -> memref<64xi32, #tpu.memory_space<hbm>>
    tpu.enqueue_dma source(%dma_start3A_121 : memref<64xi32, #tpu.memory_space<hbm>>) target(%dma_start3A_119 : memref<64xi32, #tpu.memory_space<vmem>>) target_semaphore(%arg10 : memref<!tpu.dma_semaphore, #tpu.memory_space<semaphore_mem>>)
    %dma_start3A_122 = arith.constant 4 : i32
    %dma_start3A_123 = arith.constant 0 : i32
    %dma_start3A_124 = arith.constant 256 : i32
    %dma_start3A_125 = tpu.memref_slice %arg8[%dma_start3A_124] : memref<512xi32, #tpu.memory_space<vmem>> -> memref<64xi32, #tpu.memory_space<vmem>>
    %dma_start3A_126 = tpu.memref_slice %arg4[%dma_start3A_122, %select_n3A, %dma_start3A_123, %select_n3A_32] : memref<8x2x1x1024xi32, #tpu.memory_space<hbm>> -> memref<1x1x1x64xi32, #tpu.memory_space<hbm>>
    %dma_start3A_127 = tpu.memref_squeeze %dma_start3A_126 : memref<1x1x1x64xi32, #tpu.memory_space<hbm>> -> memref<64xi32, #tpu.memory_space<hbm>>
    %dma_start3A_128 = arith.constant 256 : i32
    %dma_start3A_129 = tpu.memref_slice %arg8[%dma_start3A_128] : memref<512xi32, #tpu.memory_space<vmem>> -> memref<64xi32, #tpu.memory_space<vmem>>
    %dma_start3A_130 = tpu.memref_slice %arg4[%dma_start3A_122, %select_n3A, %dma_start3A_123, %select_n3A_32] : memref<8x2x1x1024xi32, #tpu.memory_space<hbm>> -> memref<1x1x1x64xi32, #tpu.memory_space<hbm>>
    %dma_start3A_131 = tpu.memref_squeeze %dma_start3A_130 : memref<1x1x1x64xi32, #tpu.memory_space<hbm>> -> memref<64xi32, #tpu.memory_space<hbm>>
    tpu.enqueue_dma source(%dma_start3A_131 : memref<64xi32, #tpu.memory_space<hbm>>) target(%dma_start3A_129 : memref<64xi32, #tpu.memory_space<vmem>>) target_semaphore(%arg10 : memref<!tpu.dma_semaphore, #tpu.memory_space<semaphore_mem>>)
    %dma_start3A_132 = arith.constant 5 : i32
    %dma_start3A_133 = arith.constant 0 : i32
    %dma_start3A_134 = arith.constant 320 : i32
    %dma_start3A_135 = tpu.memref_slice %arg7[%dma_start3A_134] : memref<512xi32, #tpu.memory_space<vmem>> -> memref<64xi32, #tpu.memory_space<vmem>>
    %dma_start3A_136 = tpu.memref_slice %arg3[%dma_start3A_132, %select_n3A, %dma_start3A_133, %select_n3A_32] : memref<8x2x1x1024xi32, #tpu.memory_space<hbm>> -> memref<1x1x1x64xi32, #tpu.memory_space<hbm>>
    %dma_start3A_137 = tpu.memref_squeeze %dma_start3A_136 : memref<1x1x1x64xi32, #tpu.memory_space<hbm>> -> memref<64xi32, #tpu.memory_space<hbm>>
    %dma_start3A_138 = arith.constant 320 : i32
    %dma_start3A_139 = tpu.memref_slice %arg7[%dma_start3A_138] : memref<512xi32, #tpu.memory_space<vmem>> -> memref<64xi32, #tpu.memory_space<vmem>>
    %dma_start3A_140 = tpu.memref_slice %arg3[%dma_start3A_132, %select_n3A, %dma_start3A_133, %select_n3A_32] : memref<8x2x1x1024xi32, #tpu.memory_space<hbm>> -> memref<1x1x1x64xi32, #tpu.memory_space<hbm>>
    %dma_start3A_141 = tpu.memref_squeeze %dma_start3A_140 : memref<1x1x1x64xi32, #tpu.memory_space<hbm>> -> memref<64xi32, #tpu.memory_space<hbm>>
    tpu.enqueue_dma source(%dma_start3A_141 : memref<64xi32, #tpu.memory_space<hbm>>) target(%dma_start3A_139 : memref<64xi32, #tpu.memory_space<vmem>>) target_semaphore(%arg10 : memref<!tpu.dma_semaphore, #tpu.memory_space<semaphore_mem>>)
    %dma_start3A_142 = arith.constant 5 : i32
    %dma_start3A_143 = arith.constant 0 : i32
    %dma_start3A_144 = arith.constant 320 : i32
    %dma_start3A_145 = tpu.memref_slice %arg8[%dma_start3A_144] : memref<512xi32, #tpu.memory_space<vmem>> -> memref<64xi32, #tpu.memory_space<vmem>>
    %dma_start3A_146 = tpu.memref_slice %arg4[%dma_start3A_142, %select_n3A, %dma_start3A_143, %select_n3A_32] : memref<8x2x1x1024xi32, #tpu.memory_space<hbm>> -> memref<1x1x1x64xi32, #tpu.memory_space<hbm>>
    %dma_start3A_147 = tpu.memref_squeeze %dma_start3A_146 : memref<1x1x1x64xi32, #tpu.memory_space<hbm>> -> memref<64xi32, #tpu.memory_space<hbm>>
    %dma_start3A_148 = arith.constant 320 : i32
    %dma_start3A_149 = tpu.memref_slice %arg8[%dma_start3A_148] : memref<512xi32, #tpu.memory_space<vmem>> -> memref<64xi32, #tpu.memory_space<vmem>>
    %dma_start3A_150 = tpu.memref_slice %arg4[%dma_start3A_142, %select_n3A, %dma_start3A_143, %select_n3A_32] : memref<8x2x1x1024xi32, #tpu.memory_space<hbm>> -> memref<1x1x1x64xi32, #tpu.memory_space<hbm>>
    %dma_start3A_151 = tpu.memref_squeeze %dma_start3A_150 : memref<1x1x1x64xi32, #tpu.memory_space<hbm>> -> memref<64xi32, #tpu.memory_space<hbm>>
    tpu.enqueue_dma source(%dma_start3A_151 : memref<64xi32, #tpu.memory_space<hbm>>) target(%dma_start3A_149 : memref<64xi32, #tpu.memory_space<vmem>>) target_semaphore(%arg10 : memref<!tpu.dma_semaphore, #tpu.memory_space<semaphore_mem>>)
    %dma_start3A_152 = arith.constant 6 : i32
    %dma_start3A_153 = arith.constant 0 : i32
    %dma_start3A_154 = arith.constant 384 : i32
    %dma_start3A_155 = tpu.memref_slice %arg7[%dma_start3A_154] : memref<512xi32, #tpu.memory_space<vmem>> -> memref<64xi32, #tpu.memory_space<vmem>>
    %dma_start3A_156 = tpu.memref_slice %arg3[%dma_start3A_152, %select_n3A, %dma_start3A_153, %select_n3A_32] : memref<8x2x1x1024xi32, #tpu.memory_space<hbm>> -> memref<1x1x1x64xi32, #tpu.memory_space<hbm>>
    %dma_start3A_157 = tpu.memref_squeeze %dma_start3A_156 : memref<1x1x1x64xi32, #tpu.memory_space<hbm>> -> memref<64xi32, #tpu.memory_space<hbm>>
    %dma_start3A_158 = arith.constant 384 : i32
    %dma_start3A_159 = tpu.memref_slice %arg7[%dma_start3A_158] : memref<512xi32, #tpu.memory_space<vmem>> -> memref<64xi32, #tpu.memory_space<vmem>>
    %dma_start3A_160 = tpu.memref_slice %arg3[%dma_start3A_152, %select_n3A, %dma_start3A_153, %select_n3A_32] : memref<8x2x1x1024xi32, #tpu.memory_space<hbm>> -> memref<1x1x1x64xi32, #tpu.memory_space<hbm>>
    %dma_start3A_161 = tpu.memref_squeeze %dma_start3A_160 : memref<1x1x1x64xi32, #tpu.memory_space<hbm>> -> memref<64xi32, #tpu.memory_space<hbm>>
    tpu.enqueue_dma source(%dma_start3A_161 : memref<64xi32, #tpu.memory_space<hbm>>) target(%dma_start3A_159 : memref<64xi32, #tpu.memory_space<vmem>>) target_semaphore(%arg10 : memref<!tpu.dma_semaphore, #tpu.memory_space<semaphore_mem>>)
    %dma_start3A_162 = arith.constant 6 : i32
    %dma_start3A_163 = arith.constant 0 : i32
    %dma_start3A_164 = arith.constant 384 : i32
    %dma_start3A_165 = tpu.memref_slice %arg8[%dma_start3A_164] : memref<512xi32, #tpu.memory_space<vmem>> -> memref<64xi32, #tpu.memory_space<vmem>>
    %dma_start3A_166 = tpu.memref_slice %arg4[%dma_start3A_162, %select_n3A, %dma_start3A_163, %select_n3A_32] : memref<8x2x1x1024xi32, #tpu.memory_space<hbm>> -> memref<1x1x1x64xi32, #tpu.memory_space<hbm>>
    %dma_start3A_167 = tpu.memref_squeeze %dma_start3A_166 : memref<1x1x1x64xi32, #tpu.memory_space<hbm>> -> memref<64xi32, #tpu.memory_space<hbm>>
    %dma_start3A_168 = arith.constant 384 : i32
    %dma_start3A_169 = tpu.memref_slice %arg8[%dma_start3A_168] : memref<512xi32, #tpu.memory_space<vmem>> -> memref<64xi32, #tpu.memory_space<vmem>>
    %dma_start3A_170 = tpu.memref_slice %arg4[%dma_start3A_162, %select_n3A, %dma_start3A_163, %select_n3A_32] : memref<8x2x1x1024xi32, #tpu.memory_space<hbm>> -> memref<1x1x1x64xi32, #tpu.memory_space<hbm>>
    %dma_start3A_171 = tpu.memref_squeeze %dma_start3A_170 : memref<1x1x1x64xi32, #tpu.memory_space<hbm>> -> memref<64xi32, #tpu.memory_space<hbm>>
    tpu.enqueue_dma source(%dma_start3A_171 : memref<64xi32, #tpu.memory_space<hbm>>) target(%dma_start3A_169 : memref<64xi32, #tpu.memory_space<vmem>>) target_semaphore(%arg10 : memref<!tpu.dma_semaphore, #tpu.memory_space<semaphore_mem>>)
    %dma_start3A_172 = arith.constant 7 : i32
    %dma_start3A_173 = arith.constant 0 : i32
    %dma_start3A_174 = arith.constant 448 : i32
    %dma_start3A_175 = tpu.memref_slice %arg7[%dma_start3A_174] : memref<512xi32, #tpu.memory_space<vmem>> -> memref<64xi32, #tpu.memory_space<vmem>>
    %dma_start3A_176 = tpu.memref_slice %arg3[%dma_start3A_172, %select_n3A, %dma_start3A_173, %select_n3A_32] : memref<8x2x1x1024xi32, #tpu.memory_space<hbm>> -> memref<1x1x1x64xi32, #tpu.memory_space<hbm>>
    %dma_start3A_177 = tpu.memref_squeeze %dma_start3A_176 : memref<1x1x1x64xi32, #tpu.memory_space<hbm>> -> memref<64xi32, #tpu.memory_space<hbm>>
    %dma_start3A_178 = arith.constant 448 : i32
    %dma_start3A_179 = tpu.memref_slice %arg7[%dma_start3A_178] : memref<512xi32, #tpu.memory_space<vmem>> -> memref<64xi32, #tpu.memory_space<vmem>>
    %dma_start3A_180 = tpu.memref_slice %arg3[%dma_start3A_172, %select_n3A, %dma_start3A_173, %select_n3A_32] : memref<8x2x1x1024xi32, #tpu.memory_space<hbm>> -> memref<1x1x1x64xi32, #tpu.memory_space<hbm>>
    %dma_start3A_181 = tpu.memref_squeeze %dma_start3A_180 : memref<1x1x1x64xi32, #tpu.memory_space<hbm>> -> memref<64xi32, #tpu.memory_space<hbm>>
    tpu.enqueue_dma source(%dma_start3A_181 : memref<64xi32, #tpu.memory_space<hbm>>) target(%dma_start3A_179 : memref<64xi32, #tpu.memory_space<vmem>>) target_semaphore(%arg10 : memref<!tpu.dma_semaphore, #tpu.memory_space<semaphore_mem>>)
    %dma_start3A_182 = arith.constant 7 : i32
    %dma_start3A_183 = arith.constant 0 : i32
    %dma_start3A_184 = arith.constant 448 : i32
    %dma_start3A_185 = tpu.memref_slice %arg8[%dma_start3A_184] : memref<512xi32, #tpu.memory_space<vmem>> -> memref<64xi32, #tpu.memory_space<vmem>>
    %dma_start3A_186 = tpu.memref_slice %arg4[%dma_start3A_182, %select_n3A, %dma_start3A_183, %select_n3A_32] : memref<8x2x1x1024xi32, #tpu.memory_space<hbm>> -> memref<1x1x1x64xi32, #tpu.memory_space<hbm>>
    %dma_start3A_187 = tpu.memref_squeeze %dma_start3A_186 : memref<1x1x1x64xi32, #tpu.memory_space<hbm>> -> memref<64xi32, #tpu.memory_space<hbm>>
    %dma_start3A_188 = arith.constant 448 : i32
    %dma_start3A_189 = tpu.memref_slice %arg8[%dma_start3A_188] : memref<512xi32, #tpu.memory_space<vmem>> -> memref<64xi32, #tpu.memory_space<vmem>>
    %dma_start3A_190 = tpu.memref_slice %arg4[%dma_start3A_182, %select_n3A, %dma_start3A_183, %select_n3A_32] : memref<8x2x1x1024xi32, #tpu.memory_space<hbm>> -> memref<1x1x1x64xi32, #tpu.memory_space<hbm>>
    %dma_start3A_191 = tpu.memref_squeeze %dma_start3A_190 : memref<1x1x1x64xi32, #tpu.memory_space<hbm>> -> memref<64xi32, #tpu.memory_space<hbm>>
    tpu.enqueue_dma source(%dma_start3A_191 : memref<64xi32, #tpu.memory_space<hbm>>) target(%dma_start3A_189 : memref<64xi32, #tpu.memory_space<vmem>>) target_semaphore(%arg10 : memref<!tpu.dma_semaphore, #tpu.memory_space<semaphore_mem>>)
    tpu.wait_dma2 semaphore(%arg10 : memref<!tpu.dma_semaphore, #tpu.memory_space<semaphore_mem>>) src(%arg2 : memref<98304xf32, #tpu.memory_space<hbm>>) dst(%arg6 : memref<98304xf32, #tpu.memory_space<vmem>>)
    %dma_wait3A = arith.constant 0 : i32
    %dma_wait3A_192 = arith.constant 0 : i32
    %dma_wait3A_193 = arith.constant 0 : i32
    %dma_wait3A_194 = tpu.memref_slice %arg7[%dma_wait3A_193] : memref<512xi32, #tpu.memory_space<vmem>> -> memref<64xi32, #tpu.memory_space<vmem>>
    %dma_wait3A_195 = tpu.memref_slice %arg3[%dma_wait3A, %select_n3A, %dma_wait3A_192, %select_n3A_32] : memref<8x2x1x1024xi32, #tpu.memory_space<hbm>> -> memref<1x1x1x64xi32, #tpu.memory_space<hbm>>
    %dma_wait3A_196 = tpu.memref_squeeze %dma_wait3A_195 : memref<1x1x1x64xi32, #tpu.memory_space<hbm>> -> memref<64xi32, #tpu.memory_space<hbm>>
    %dma_wait3A_197 = arith.constant 0 : i32
    %dma_wait3A_198 = tpu.memref_slice %arg7[%dma_wait3A_197] : memref<512xi32, #tpu.memory_space<vmem>> -> memref<64xi32, #tpu.memory_space<vmem>>
    %dma_wait3A_199 = tpu.memref_slice %arg3[%dma_wait3A, %select_n3A, %dma_wait3A_192, %select_n3A_32] : memref<8x2x1x1024xi32, #tpu.memory_space<hbm>> -> memref<1x1x1x64xi32, #tpu.memory_space<hbm>>
    %dma_wait3A_200 = tpu.memref_squeeze %dma_wait3A_199 : memref<1x1x1x64xi32, #tpu.memory_space<hbm>> -> memref<64xi32, #tpu.memory_space<hbm>>
    tpu.wait_dma2 semaphore(%arg10 : memref<!tpu.dma_semaphore, #tpu.memory_space<semaphore_mem>>) src(%dma_wait3A_200 : memref<64xi32, #tpu.memory_space<hbm>>) dst(%dma_wait3A_198 : memref<64xi32, #tpu.memory_space<vmem>>)
    %dma_wait3A_201 = arith.constant 0 : i32
    %dma_wait3A_202 = arith.constant 0 : i32
    %dma_wait3A_203 = arith.constant 0 : i32
    %dma_wait3A_204 = tpu.memref_slice %arg8[%dma_wait3A_203] : memref<512xi32, #tpu.memory_space<vmem>> -> memref<64xi32, #tpu.memory_space<vmem>>
    %dma_wait3A_205 = tpu.memref_slice %arg4[%dma_wait3A_201, %select_n3A, %dma_wait3A_202, %select_n3A_32] : memref<8x2x1x1024xi32, #tpu.memory_space<hbm>> -> memref<1x1x1x64xi32, #tpu.memory_space<hbm>>
    %dma_wait3A_206 = tpu.memref_squeeze %dma_wait3A_205 : memref<1x1x1x64xi32, #tpu.memory_space<hbm>> -> memref<64xi32, #tpu.memory_space<hbm>>
    %dma_wait3A_207 = arith.constant 0 : i32
    %dma_wait3A_208 = tpu.memref_slice %arg8[%dma_wait3A_207] : memref<512xi32, #tpu.memory_space<vmem>> -> memref<64xi32, #tpu.memory_space<vmem>>
    %dma_wait3A_209 = tpu.memref_slice %arg4[%dma_wait3A_201, %select_n3A, %dma_wait3A_202, %select_n3A_32] : memref<8x2x1x1024xi32, #tpu.memory_space<hbm>> -> memref<1x1x1x64xi32, #tpu.memory_space<hbm>>
    %dma_wait3A_210 = tpu.memref_squeeze %dma_wait3A_209 : memref<1x1x1x64xi32, #tpu.memory_space<hbm>> -> memref<64xi32, #tpu.memory_space<hbm>>
    tpu.wait_dma2 semaphore(%arg10 : memref<!tpu.dma_semaphore, #tpu.memory_space<semaphore_mem>>) src(%dma_wait3A_210 : memref<64xi32, #tpu.memory_space<hbm>>) dst(%dma_wait3A_208 : memref<64xi32, #tpu.memory_space<vmem>>)
    %dma_wait3A_211 = arith.constant 1 : i32
    %dma_wait3A_212 = arith.constant 0 : i32
    %dma_wait3A_213 = arith.constant 64 : i32
    %dma_wait3A_214 = tpu.memref_slice %arg7[%dma_wait3A_213] : memref<512xi32, #tpu.memory_space<vmem>> -> memref<64xi32, #tpu.memory_space<vmem>>
    %dma_wait3A_215 = tpu.memref_slice %arg3[%dma_wait3A_211, %select_n3A, %dma_wait3A_212, %select_n3A_32] : memref<8x2x1x1024xi32, #tpu.memory_space<hbm>> -> memref<1x1x1x64xi32, #tpu.memory_space<hbm>>
    %dma_wait3A_216 = tpu.memref_squeeze %dma_wait3A_215 : memref<1x1x1x64xi32, #tpu.memory_space<hbm>> -> memref<64xi32, #tpu.memory_space<hbm>>
    %dma_wait3A_217 = arith.constant 64 : i32
    %dma_wait3A_218 = tpu.memref_slice %arg7[%dma_wait3A_217] : memref<512xi32, #tpu.memory_space<vmem>> -> memref<64xi32, #tpu.memory_space<vmem>>
    %dma_wait3A_219 = tpu.memref_slice %arg3[%dma_wait3A_211, %select_n3A, %dma_wait3A_212, %select_n3A_32] : memref<8x2x1x1024xi32, #tpu.memory_space<hbm>> -> memref<1x1x1x64xi32, #tpu.memory_space<hbm>>
    %dma_wait3A_220 = tpu.memref_squeeze %dma_wait3A_219 : memref<1x1x1x64xi32, #tpu.memory_space<hbm>> -> memref<64xi32, #tpu.memory_space<hbm>>
    tpu.wait_dma2 semaphore(%arg10 : memref<!tpu.dma_semaphore, #tpu.memory_space<semaphore_mem>>) src(%dma_wait3A_220 : memref<64xi32, #tpu.memory_space<hbm>>) dst(%dma_wait3A_218 : memref<64xi32, #tpu.memory_space<vmem>>)
    %dma_wait3A_221 = arith.constant 1 : i32
    %dma_wait3A_222 = arith.constant 0 : i32
    %dma_wait3A_223 = arith.constant 64 : i32
    %dma_wait3A_224 = tpu.memref_slice %arg8[%dma_wait3A_223] : memref<512xi32, #tpu.memory_space<vmem>> -> memref<64xi32, #tpu.memory_space<vmem>>
    %dma_wait3A_225 = tpu.memref_slice %arg4[%dma_wait3A_221, %select_n3A, %dma_wait3A_222, %select_n3A_32] : memref<8x2x1x1024xi32, #tpu.memory_space<hbm>> -> memref<1x1x1x64xi32, #tpu.memory_space<hbm>>
    %dma_wait3A_226 = tpu.memref_squeeze %dma_wait3A_225 : memref<1x1x1x64xi32, #tpu.memory_space<hbm>> -> memref<64xi32, #tpu.memory_space<hbm>>
    %dma_wait3A_227 = arith.constant 64 : i32
    %dma_wait3A_228 = tpu.memref_slice %arg8[%dma_wait3A_227] : memref<512xi32, #tpu.memory_space<vmem>> -> memref<64xi32, #tpu.memory_space<vmem>>
    %dma_wait3A_229 = tpu.memref_slice %arg4[%dma_wait3A_221, %select_n3A, %dma_wait3A_222, %select_n3A_32] : memref<8x2x1x1024xi32, #tpu.memory_space<hbm>> -> memref<1x1x1x64xi32, #tpu.memory_space<hbm>>
    %dma_wait3A_230 = tpu.memref_squeeze %dma_wait3A_229 : memref<1x1x1x64xi32, #tpu.memory_space<hbm>> -> memref<64xi32, #tpu.memory_space<hbm>>
    tpu.wait_dma2 semaphore(%arg10 : memref<!tpu.dma_semaphore, #tpu.memory_space<semaphore_mem>>) src(%dma_wait3A_230 : memref<64xi32, #tpu.memory_space<hbm>>) dst(%dma_wait3A_228 : memref<64xi32, #tpu.memory_space<vmem>>)
    %dma_wait3A_231 = arith.constant 2 : i32
    %dma_wait3A_232 = arith.constant 0 : i32
    %dma_wait3A_233 = arith.constant 128 : i32
    %dma_wait3A_234 = tpu.memref_slice %arg7[%dma_wait3A_233] : memref<512xi32, #tpu.memory_space<vmem>> -> memref<64xi32, #tpu.memory_space<vmem>>
    %dma_wait3A_235 = tpu.memref_slice %arg3[%dma_wait3A_231, %select_n3A, %dma_wait3A_232, %select_n3A_32] : memref<8x2x1x1024xi32, #tpu.memory_space<hbm>> -> memref<1x1x1x64xi32, #tpu.memory_space<hbm>>
    %dma_wait3A_236 = tpu.memref_squeeze %dma_wait3A_235 : memref<1x1x1x64xi32, #tpu.memory_space<hbm>> -> memref<64xi32, #tpu.memory_space<hbm>>
    %dma_wait3A_237 = arith.constant 128 : i32
    %dma_wait3A_238 = tpu.memref_slice %arg7[%dma_wait3A_237] : memref<512xi32, #tpu.memory_space<vmem>> -> memref<64xi32, #tpu.memory_space<vmem>>
    %dma_wait3A_239 = tpu.memref_slice %arg3[%dma_wait3A_231, %select_n3A, %dma_wait3A_232, %select_n3A_32] : memref<8x2x1x1024xi32, #tpu.memory_space<hbm>> -> memref<1x1x1x64xi32, #tpu.memory_space<hbm>>
    %dma_wait3A_240 = tpu.memref_squeeze %dma_wait3A_239 : memref<1x1x1x64xi32, #tpu.memory_space<hbm>> -> memref<64xi32, #tpu.memory_space<hbm>>
    tpu.wait_dma2 semaphore(%arg10 : memref<!tpu.dma_semaphore, #tpu.memory_space<semaphore_mem>>) src(%dma_wait3A_240 : memref<64xi32, #tpu.memory_space<hbm>>) dst(%dma_wait3A_238 : memref<64xi32, #tpu.memory_space<vmem>>)
    %dma_wait3A_241 = arith.constant 2 : i32
    %dma_wait3A_242 = arith.constant 0 : i32
    %dma_wait3A_243 = arith.constant 128 : i32
    %dma_wait3A_244 = tpu.memref_slice %arg8[%dma_wait3A_243] : memref<512xi32, #tpu.memory_space<vmem>> -> memref<64xi32, #tpu.memory_space<vmem>>
    %dma_wait3A_245 = tpu.memref_slice %arg4[%dma_wait3A_241, %select_n3A, %dma_wait3A_242, %select_n3A_32] : memref<8x2x1x1024xi32, #tpu.memory_space<hbm>> -> memref<1x1x1x64xi32, #tpu.memory_space<hbm>>
    %dma_wait3A_246 = tpu.memref_squeeze %dma_wait3A_245 : memref<1x1x1x64xi32, #tpu.memory_space<hbm>> -> memref<64xi32, #tpu.memory_space<hbm>>
    %dma_wait3A_247 = arith.constant 128 : i32
    %dma_wait3A_248 = tpu.memref_slice %arg8[%dma_wait3A_247] : memref<512xi32, #tpu.memory_space<vmem>> -> memref<64xi32, #tpu.memory_space<vmem>>
    %dma_wait3A_249 = tpu.memref_slice %arg4[%dma_wait3A_241, %select_n3A, %dma_wait3A_242, %select_n3A_32] : memref<8x2x1x1024xi32, #tpu.memory_space<hbm>> -> memref<1x1x1x64xi32, #tpu.memory_space<hbm>>
    %dma_wait3A_250 = tpu.memref_squeeze %dma_wait3A_249 : memref<1x1x1x64xi32, #tpu.memory_space<hbm>> -> memref<64xi32, #tpu.memory_space<hbm>>
    tpu.wait_dma2 semaphore(%arg10 : memref<!tpu.dma_semaphore, #tpu.memory_space<semaphore_mem>>) src(%dma_wait3A_250 : memref<64xi32, #tpu.memory_space<hbm>>) dst(%dma_wait3A_248 : memref<64xi32, #tpu.memory_space<vmem>>)
    %dma_wait3A_251 = arith.constant 3 : i32
    %dma_wait3A_252 = arith.constant 0 : i32
    %dma_wait3A_253 = arith.constant 192 : i32
    %dma_wait3A_254 = tpu.memref_slice %arg7[%dma_wait3A_253] : memref<512xi32, #tpu.memory_space<vmem>> -> memref<64xi32, #tpu.memory_space<vmem>>
    %dma_wait3A_255 = tpu.memref_slice %arg3[%dma_wait3A_251, %select_n3A, %dma_wait3A_252, %select_n3A_32] : memref<8x2x1x1024xi32, #tpu.memory_space<hbm>> -> memref<1x1x1x64xi32, #tpu.memory_space<hbm>>
    %dma_wait3A_256 = tpu.memref_squeeze %dma_wait3A_255 : memref<1x1x1x64xi32, #tpu.memory_space<hbm>> -> memref<64xi32, #tpu.memory_space<hbm>>
    %dma_wait3A_257 = arith.constant 192 : i32
    %dma_wait3A_258 = tpu.memref_slice %arg7[%dma_wait3A_257] : memref<512xi32, #tpu.memory_space<vmem>> -> memref<64xi32, #tpu.memory_space<vmem>>
    %dma_wait3A_259 = tpu.memref_slice %arg3[%dma_wait3A_251, %select_n3A, %dma_wait3A_252, %select_n3A_32] : memref<8x2x1x1024xi32, #tpu.memory_space<hbm>> -> memref<1x1x1x64xi32, #tpu.memory_space<hbm>>
    %dma_wait3A_260 = tpu.memref_squeeze %dma_wait3A_259 : memref<1x1x1x64xi32, #tpu.memory_space<hbm>> -> memref<64xi32, #tpu.memory_space<hbm>>
    tpu.wait_dma2 semaphore(%arg10 : memref<!tpu.dma_semaphore, #tpu.memory_space<semaphore_mem>>) src(%dma_wait3A_260 : memref<64xi32, #tpu.memory_space<hbm>>) dst(%dma_wait3A_258 : memref<64xi32, #tpu.memory_space<vmem>>)
    %dma_wait3A_261 = arith.constant 3 : i32
    %dma_wait3A_262 = arith.constant 0 : i32
    %dma_wait3A_263 = arith.constant 192 : i32
    %dma_wait3A_264 = tpu.memref_slice %arg8[%dma_wait3A_263] : memref<512xi32, #tpu.memory_space<vmem>> -> memref<64xi32, #tpu.memory_space<vmem>>
    %dma_wait3A_265 = tpu.memref_slice %arg4[%dma_wait3A_261, %select_n3A, %dma_wait3A_262, %select_n3A_32] : memref<8x2x1x1024xi32, #tpu.memory_space<hbm>> -> memref<1x1x1x64xi32, #tpu.memory_space<hbm>>
    %dma_wait3A_266 = tpu.memref_squeeze %dma_wait3A_265 : memref<1x1x1x64xi32, #tpu.memory_space<hbm>> -> memref<64xi32, #tpu.memory_space<hbm>>
    %dma_wait3A_267 = arith.constant 192 : i32
    %dma_wait3A_268 = tpu.memref_slice %arg8[%dma_wait3A_267] : memref<512xi32, #tpu.memory_space<vmem>> -> memref<64xi32, #tpu.memory_space<vmem>>
    %dma_wait3A_269 = tpu.memref_slice %arg4[%dma_wait3A_261, %select_n3A, %dma_wait3A_262, %select_n3A_32] : memref<8x2x1x1024xi32, #tpu.memory_space<hbm>> -> memref<1x1x1x64xi32, #tpu.memory_space<hbm>>
    %dma_wait3A_270 = tpu.memref_squeeze %dma_wait3A_269 : memref<1x1x1x64xi32, #tpu.memory_space<hbm>> -> memref<64xi32, #tpu.memory_space<hbm>>
    tpu.wait_dma2 semaphore(%arg10 : memref<!tpu.dma_semaphore, #tpu.memory_space<semaphore_mem>>) src(%dma_wait3A_270 : memref<64xi32, #tpu.memory_space<hbm>>) dst(%dma_wait3A_268 : memref<64xi32, #tpu.memory_space<vmem>>)
    %dma_wait3A_271 = arith.constant 4 : i32
    %dma_wait3A_272 = arith.constant 0 : i32
    %dma_wait3A_273 = arith.constant 256 : i32
    %dma_wait3A_274 = tpu.memref_slice %arg7[%dma_wait3A_273] : memref<512xi32, #tpu.memory_space<vmem>> -> memref<64xi32, #tpu.memory_space<vmem>>
    %dma_wait3A_275 = tpu.memref_slice %arg3[%dma_wait3A_271, %select_n3A, %dma_wait3A_272, %select_n3A_32] : memref<8x2x1x1024xi32, #tpu.memory_space<hbm>> -> memref<1x1x1x64xi32, #tpu.memory_space<hbm>>
    %dma_wait3A_276 = tpu.memref_squeeze %dma_wait3A_275 : memref<1x1x1x64xi32, #tpu.memory_space<hbm>> -> memref<64xi32, #tpu.memory_space<hbm>>
    %dma_wait3A_277 = arith.constant 256 : i32
    %dma_wait3A_278 = tpu.memref_slice %arg7[%dma_wait3A_277] : memref<512xi32, #tpu.memory_space<vmem>> -> memref<64xi32, #tpu.memory_space<vmem>>
    %dma_wait3A_279 = tpu.memref_slice %arg3[%dma_wait3A_271, %select_n3A, %dma_wait3A_272, %select_n3A_32] : memref<8x2x1x1024xi32, #tpu.memory_space<hbm>> -> memref<1x1x1x64xi32, #tpu.memory_space<hbm>>
    %dma_wait3A_280 = tpu.memref_squeeze %dma_wait3A_279 : memref<1x1x1x64xi32, #tpu.memory_space<hbm>> -> memref<64xi32, #tpu.memory_space<hbm>>
    tpu.wait_dma2 semaphore(%arg10 : memref<!tpu.dma_semaphore, #tpu.memory_space<semaphore_mem>>) src(%dma_wait3A_280 : memref<64xi32, #tpu.memory_space<hbm>>) dst(%dma_wait3A_278 : memref<64xi32, #tpu.memory_space<vmem>>)
    %dma_wait3A_281 = arith.constant 4 : i32
    %dma_wait3A_282 = arith.constant 0 : i32
    %dma_wait3A_283 = arith.constant 256 : i32
    %dma_wait3A_284 = tpu.memref_slice %arg8[%dma_wait3A_283] : memref<512xi32, #tpu.memory_space<vmem>> -> memref<64xi32, #tpu.memory_space<vmem>>
    %dma_wait3A_285 = tpu.memref_slice %arg4[%dma_wait3A_281, %select_n3A, %dma_wait3A_282, %select_n3A_32] : memref<8x2x1x1024xi32, #tpu.memory_space<hbm>> -> memref<1x1x1x64xi32, #tpu.memory_space<hbm>>
    %dma_wait3A_286 = tpu.memref_squeeze %dma_wait3A_285 : memref<1x1x1x64xi32, #tpu.memory_space<hbm>> -> memref<64xi32, #tpu.memory_space<hbm>>
    %dma_wait3A_287 = arith.constant 256 : i32
    %dma_wait3A_288 = tpu.memref_slice %arg8[%dma_wait3A_287] : memref<512xi32, #tpu.memory_space<vmem>> -> memref<64xi32, #tpu.memory_space<vmem>>
    %dma_wait3A_289 = tpu.memref_slice %arg4[%dma_wait3A_281, %select_n3A, %dma_wait3A_282, %select_n3A_32] : memref<8x2x1x1024xi32, #tpu.memory_space<hbm>> -> memref<1x1x1x64xi32, #tpu.memory_space<hbm>>
    %dma_wait3A_290 = tpu.memref_squeeze %dma_wait3A_289 : memref<1x1x1x64xi32, #tpu.memory_space<hbm>> -> memref<64xi32, #tpu.memory_space<hbm>>
    tpu.wait_dma2 semaphore(%arg10 : memref<!tpu.dma_semaphore, #tpu.memory_space<semaphore_mem>>) src(%dma_wait3A_290 : memref<64xi32, #tpu.memory_space<hbm>>) dst(%dma_wait3A_288 : memref<64xi32, #tpu.memory_space<vmem>>)
    %dma_wait3A_291 = arith.constant 5 : i32
    %dma_wait3A_292 = arith.constant 0 : i32
    %dma_wait3A_293 = arith.constant 320 : i32
    %dma_wait3A_294 = tpu.memref_slice %arg7[%dma_wait3A_293] : memref<512xi32, #tpu.memory_space<vmem>> -> memref<64xi32, #tpu.memory_space<vmem>>
    %dma_wait3A_295 = tpu.memref_slice %arg3[%dma_wait3A_291, %select_n3A, %dma_wait3A_292, %select_n3A_32] : memref<8x2x1x1024xi32, #tpu.memory_space<hbm>> -> memref<1x1x1x64xi32, #tpu.memory_space<hbm>>
    %dma_wait3A_296 = tpu.memref_squeeze %dma_wait3A_295 : memref<1x1x1x64xi32, #tpu.memory_space<hbm>> -> memref<64xi32, #tpu.memory_space<hbm>>
    %dma_wait3A_297 = arith.constant 320 : i32
    %dma_wait3A_298 = tpu.memref_slice %arg7[%dma_wait3A_297] : memref<512xi32, #tpu.memory_space<vmem>> -> memref<64xi32, #tpu.memory_space<vmem>>
    %dma_wait3A_299 = tpu.memref_slice %arg3[%dma_wait3A_291, %select_n3A, %dma_wait3A_292, %select_n3A_32] : memref<8x2x1x1024xi32, #tpu.memory_space<hbm>> -> memref<1x1x1x64xi32, #tpu.memory_space<hbm>>
    %dma_wait3A_300 = tpu.memref_squeeze %dma_wait3A_299 : memref<1x1x1x64xi32, #tpu.memory_space<hbm>> -> memref<64xi32, #tpu.memory_space<hbm>>
    tpu.wait_dma2 semaphore(%arg10 : memref<!tpu.dma_semaphore, #tpu.memory_space<semaphore_mem>>) src(%dma_wait3A_300 : memref<64xi32, #tpu.memory_space<hbm>>) dst(%dma_wait3A_298 : memref<64xi32, #tpu.memory_space<vmem>>)
    %dma_wait3A_301 = arith.constant 5 : i32
    %dma_wait3A_302 = arith.constant 0 : i32
    %dma_wait3A_303 = arith.constant 320 : i32
    %dma_wait3A_304 = tpu.memref_slice %arg8[%dma_wait3A_303] : memref<512xi32, #tpu.memory_space<vmem>> -> memref<64xi32, #tpu.memory_space<vmem>>
    %dma_wait3A_305 = tpu.memref_slice %arg4[%dma_wait3A_301, %select_n3A, %dma_wait3A_302, %select_n3A_32] : memref<8x2x1x1024xi32, #tpu.memory_space<hbm>> -> memref<1x1x1x64xi32, #tpu.memory_space<hbm>>
    %dma_wait3A_306 = tpu.memref_squeeze %dma_wait3A_305 : memref<1x1x1x64xi32, #tpu.memory_space<hbm>> -> memref<64xi32, #tpu.memory_space<hbm>>
    %dma_wait3A_307 = arith.constant 320 : i32
    %dma_wait3A_308 = tpu.memref_slice %arg8[%dma_wait3A_307] : memref<512xi32, #tpu.memory_space<vmem>> -> memref<64xi32, #tpu.memory_space<vmem>>
    %dma_wait3A_309 = tpu.memref_slice %arg4[%dma_wait3A_301, %select_n3A, %dma_wait3A_302, %select_n3A_32] : memref<8x2x1x1024xi32, #tpu.memory_space<hbm>> -> memref<1x1x1x64xi32, #tpu.memory_space<hbm>>
    %dma_wait3A_310 = tpu.memref_squeeze %dma_wait3A_309 : memref<1x1x1x64xi32, #tpu.memory_space<hbm>> -> memref<64xi32, #tpu.memory_space<hbm>>
    tpu.wait_dma2 semaphore(%arg10 : memref<!tpu.dma_semaphore, #tpu.memory_space<semaphore_mem>>) src(%dma_wait3A_310 : memref<64xi32, #tpu.memory_space<hbm>>) dst(%dma_wait3A_308 : memref<64xi32, #tpu.memory_space<vmem>>)
    %dma_wait3A_311 = arith.constant 6 : i32
    %dma_wait3A_312 = arith.constant 0 : i32
    %dma_wait3A_313 = arith.constant 384 : i32
    %dma_wait3A_314 = tpu.memref_slice %arg7[%dma_wait3A_313] : memref<512xi32, #tpu.memory_space<vmem>> -> memref<64xi32, #tpu.memory_space<vmem>>
    %dma_wait3A_315 = tpu.memref_slice %arg3[%dma_wait3A_311, %select_n3A, %dma_wait3A_312, %select_n3A_32] : memref<8x2x1x1024xi32, #tpu.memory_space<hbm>> -> memref<1x1x1x64xi32, #tpu.memory_space<hbm>>
    %dma_wait3A_316 = tpu.memref_squeeze %dma_wait3A_315 : memref<1x1x1x64xi32, #tpu.memory_space<hbm>> -> memref<64xi32, #tpu.memory_space<hbm>>
    %dma_wait3A_317 = arith.constant 384 : i32
    %dma_wait3A_318 = tpu.memref_slice %arg7[%dma_wait3A_317] : memref<512xi32, #tpu.memory_space<vmem>> -> memref<64xi32, #tpu.memory_space<vmem>>
    %dma_wait3A_319 = tpu.memref_slice %arg3[%dma_wait3A_311, %select_n3A, %dma_wait3A_312, %select_n3A_32] : memref<8x2x1x1024xi32, #tpu.memory_space<hbm>> -> memref<1x1x1x64xi32, #tpu.memory_space<hbm>>
    %dma_wait3A_320 = tpu.memref_squeeze %dma_wait3A_319 : memref<1x1x1x64xi32, #tpu.memory_space<hbm>> -> memref<64xi32, #tpu.memory_space<hbm>>
    tpu.wait_dma2 semaphore(%arg10 : memref<!tpu.dma_semaphore, #tpu.memory_space<semaphore_mem>>) src(%dma_wait3A_320 : memref<64xi32, #tpu.memory_space<hbm>>) dst(%dma_wait3A_318 : memref<64xi32, #tpu.memory_space<vmem>>)
    %dma_wait3A_321 = arith.constant 6 : i32
    %dma_wait3A_322 = arith.constant 0 : i32
    %dma_wait3A_323 = arith.constant 384 : i32
    %dma_wait3A_324 = tpu.memref_slice %arg8[%dma_wait3A_323] : memref<512xi32, #tpu.memory_space<vmem>> -> memref<64xi32, #tpu.memory_space<vmem>>
    %dma_wait3A_325 = tpu.memref_slice %arg4[%dma_wait3A_321, %select_n3A, %dma_wait3A_322, %select_n3A_32] : memref<8x2x1x1024xi32, #tpu.memory_space<hbm>> -> memref<1x1x1x64xi32, #tpu.memory_space<hbm>>
    %dma_wait3A_326 = tpu.memref_squeeze %dma_wait3A_325 : memref<1x1x1x64xi32, #tpu.memory_space<hbm>> -> memref<64xi32, #tpu.memory_space<hbm>>
    %dma_wait3A_327 = arith.constant 384 : i32
    %dma_wait3A_328 = tpu.memref_slice %arg8[%dma_wait3A_327] : memref<512xi32, #tpu.memory_space<vmem>> -> memref<64xi32, #tpu.memory_space<vmem>>
    %dma_wait3A_329 = tpu.memref_slice %arg4[%dma_wait3A_321, %select_n3A, %dma_wait3A_322, %select_n3A_32] : memref<8x2x1x1024xi32, #tpu.memory_space<hbm>> -> memref<1x1x1x64xi32, #tpu.memory_space<hbm>>
    %dma_wait3A_330 = tpu.memref_squeeze %dma_wait3A_329 : memref<1x1x1x64xi32, #tpu.memory_space<hbm>> -> memref<64xi32, #tpu.memory_space<hbm>>
    tpu.wait_dma2 semaphore(%arg10 : memref<!tpu.dma_semaphore, #tpu.memory_space<semaphore_mem>>) src(%dma_wait3A_330 : memref<64xi32, #tpu.memory_space<hbm>>) dst(%dma_wait3A_328 : memref<64xi32, #tpu.memory_space<vmem>>)
    %dma_wait3A_331 = arith.constant 7 : i32
    %dma_wait3A_332 = arith.constant 0 : i32
    %dma_wait3A_333 = arith.constant 448 : i32
    %dma_wait3A_334 = tpu.memref_slice %arg7[%dma_wait3A_333] : memref<512xi32, #tpu.memory_space<vmem>> -> memref<64xi32, #tpu.memory_space<vmem>>
    %dma_wait3A_335 = tpu.memref_slice %arg3[%dma_wait3A_331, %select_n3A, %dma_wait3A_332, %select_n3A_32] : memref<8x2x1x1024xi32, #tpu.memory_space<hbm>> -> memref<1x1x1x64xi32, #tpu.memory_space<hbm>>
    %dma_wait3A_336 = tpu.memref_squeeze %dma_wait3A_335 : memref<1x1x1x64xi32, #tpu.memory_space<hbm>> -> memref<64xi32, #tpu.memory_space<hbm>>
    %dma_wait3A_337 = arith.constant 448 : i32
    %dma_wait3A_338 = tpu.memref_slice %arg7[%dma_wait3A_337] : memref<512xi32, #tpu.memory_space<vmem>> -> memref<64xi32, #tpu.memory_space<vmem>>
    %dma_wait3A_339 = tpu.memref_slice %arg3[%dma_wait3A_331, %select_n3A, %dma_wait3A_332, %select_n3A_32] : memref<8x2x1x1024xi32, #tpu.memory_space<hbm>> -> memref<1x1x1x64xi32, #tpu.memory_space<hbm>>
    %dma_wait3A_340 = tpu.memref_squeeze %dma_wait3A_339 : memref<1x1x1x64xi32, #tpu.memory_space<hbm>> -> memref<64xi32, #tpu.memory_space<hbm>>
    tpu.wait_dma2 semaphore(%arg10 : memref<!tpu.dma_semaphore, #tpu.memory_space<semaphore_mem>>) src(%dma_wait3A_340 : memref<64xi32, #tpu.memory_space<hbm>>) dst(%dma_wait3A_338 : memref<64xi32, #tpu.memory_space<vmem>>)
    %dma_wait3A_341 = arith.constant 7 : i32
    %dma_wait3A_342 = arith.constant 0 : i32
    %dma_wait3A_343 = arith.constant 448 : i32
    %dma_wait3A_344 = tpu.memref_slice %arg8[%dma_wait3A_343] : memref<512xi32, #tpu.memory_space<vmem>> -> memref<64xi32, #tpu.memory_space<vmem>>
    %dma_wait3A_345 = tpu.memref_slice %arg4[%dma_wait3A_341, %select_n3A, %dma_wait3A_342, %select_n3A_32] : memref<8x2x1x1024xi32, #tpu.memory_space<hbm>> -> memref<1x1x1x64xi32, #tpu.memory_space<hbm>>
    %dma_wait3A_346 = tpu.memref_squeeze %dma_wait3A_345 : memref<1x1x1x64xi32, #tpu.memory_space<hbm>> -> memref<64xi32, #tpu.memory_space<hbm>>
    %dma_wait3A_347 = arith.constant 448 : i32
    %dma_wait3A_348 = tpu.memref_slice %arg8[%dma_wait3A_347] : memref<512xi32, #tpu.memory_space<vmem>> -> memref<64xi32, #tpu.memory_space<vmem>>
    %dma_wait3A_349 = tpu.memref_slice %arg4[%dma_wait3A_341, %select_n3A, %dma_wait3A_342, %select_n3A_32] : memref<8x2x1x1024xi32, #tpu.memory_space<hbm>> -> memref<1x1x1x64xi32, #tpu.memory_space<hbm>>
    %dma_wait3A_350 = tpu.memref_squeeze %dma_wait3A_349 : memref<1x1x1x64xi32, #tpu.memory_space<hbm>> -> memref<64xi32, #tpu.memory_space<hbm>>
    tpu.wait_dma2 semaphore(%arg10 : memref<!tpu.dma_semaphore, #tpu.memory_space<semaphore_mem>>) src(%dma_wait3A_350 : memref<64xi32, #tpu.memory_space<hbm>>) dst(%dma_wait3A_348 : memref<64xi32, #tpu.memory_space<vmem>>)
    %iota3A = tpu.iota {dimensions = array<i32: 0>} : vector<16xi32>
    %mul3A_351 = arith.constant 3 : i32
    %mul3A_352 = vector.broadcast %mul3A_351 : i32 to vector<16xi32>
    %mul3A_353 = arith.muli %iota3A, %mul3A_352 : vector<16xi32>
    %scan3A = arith.constant 0 : i32
    %scan3A_354 = arith.constant 0 : i32
    %scan3A_355 = arith.constant 8 : i32
    %scan3A_356 = arith.addi %scan3A_354, %scan3A_355 : i32
    %scan3A_357 = arith.constant 1 : i32
    scf.for %scan3A_359 = %scan3A_354 to %scan3A_356 step %scan3A_357  : i32 {
      %mul3A_360 = arith.constant 6144 : i32
      %mul3A_361 = arith.muli %scan3A_359, %mul3A_360 : i32
      %mul3A_362 = arith.constant 6144 : i32
      %mul3A_363 = arith.muli %scan3A_359, %mul3A_362 : i32
      %add3A_364 = arith.constant 49152 : i32
      %add3A_365 = arith.addi %add3A_364, %mul3A_363 : i32
      %broadcast_in_dim3A = arith.constant 0.000000e+00 : f32
      %broadcast_in_dim3A_366 = vector.broadcast %broadcast_in_dim3A : f32 to vector<16xf32>
      %mul3A_367 = arith.constant 64 : i32
      %mul3A_368 = arith.muli %scan3A_359, %mul3A_367 : i32
      %add3A_369 = arith.constant 0 : i32
      %add3A_370 = arith.addi %mul3A_368, %add3A_369 : i32
      %get3A = arith.index_cast %add3A_370 : i32 to index
      %get3A_371 = tpu.vector_load %arg7[%get3A] {strides = array<i32>} : memref<512xi32, #tpu.memory_space<vmem>>, vector<16xi32>,
      %mul3A_372 = arith.constant 3 : i32
      %mul3A_373 = vector.broadcast %mul3A_372 : i32 to vector<16xi32>
      %mul3A_374 = arith.muli %get3A_371, %mul3A_373 : vector<16xi32>
      %add3A_375 = vector.broadcast %add3A_365 : i32 to vector<16xi32>
      %add3A_376 = arith.addi %add3A_375, %mul3A_374 : vector<16xi32>
      %add3A_377 = arith.constant 0 : i32
      %add3A_378 = arith.addi %mul3A_2, %add3A_377 : i32
      %mul3A_379 = arith.constant 3 : i32
      %mul3A_380 = arith.muli %add3A_378, %mul3A_379 : i32
      %add3A_381 = arith.addi %mul3A_361, %mul3A_380 : i32
      %add3A_382 = vector.broadcast %add3A_381 : i32 to vector<16xi32>
      %add3A_383 = arith.addi %add3A_382, %mul3A_353 : vector<16xi32>
      %broadcast_in_dim3A_384 = arith.constant 0.000000e+00 : f32
      %broadcast_in_dim3A_385 = vector.broadcast %broadcast_in_dim3A_384 : f32 to vector<16xf32>
      %add3A_386 = arith.constant 0 : i32
      %add3A_387 = vector.broadcast %add3A_386 : i32 to vector<16xi32>
      %add3A_388 = arith.addi %add3A_376, %add3A_387 : vector<16xi32>
      %gather3A = tpu.vector_load_idx %arg6[%add3A_388] : memref<98304xf32, #tpu.memory_space<vmem>>[vector<16xi32>], vector<16xf32>,
      %add3A_389 = arith.constant 0 : i32
      %add3A_390 = vector.broadcast %add3A_389 : i32 to vector<16xi32>
      %add3A_391 = arith.addi %add3A_383, %add3A_390 : vector<16xi32>
      %gather3A_392 = tpu.vector_load_idx %arg6[%add3A_391] : memref<98304xf32, #tpu.memory_space<vmem>>[vector<16xi32>], vector<16xf32>,
      %sub3A_393 = arith.subf %gather3A_392, %gather3A : vector<16xf32>
      %abs3A = math.absf %sub3A_393 : vector<16xf32>
      %mul3A_394 = arith.mulf %abs3A, %abs3A : vector<16xf32>
      %mul3A_395 = arith.mulf %mul3A_394, %mul3A_394 : vector<16xf32>
      %mul3A_396 = arith.mulf %mul3A_395, %abs3A : vector<16xf32>
      %add3A_397 = arith.addf %broadcast_in_dim3A_385, %mul3A_396 : vector<16xf32>
      %add3A_398 = arith.constant 1 : i32
      %add3A_399 = vector.broadcast %add3A_398 : i32 to vector<16xi32>
      %add3A_400 = arith.addi %add3A_376, %add3A_399 : vector<16xi32>
      %gather3A_401 = tpu.vector_load_idx %arg6[%add3A_400] : memref<98304xf32, #tpu.memory_space<vmem>>[vector<16xi32>], vector<16xf32>,
      %add3A_402 = arith.constant 1 : i32
      %add3A_403 = vector.broadcast %add3A_402 : i32 to vector<16xi32>
      %add3A_404 = arith.addi %add3A_383, %add3A_403 : vector<16xi32>
      %gather3A_405 = tpu.vector_load_idx %arg6[%add3A_404] : memref<98304xf32, #tpu.memory_space<vmem>>[vector<16xi32>], vector<16xf32>,
      %sub3A_406 = arith.subf %gather3A_405, %gather3A_401 : vector<16xf32>
      %abs3A_407 = math.absf %sub3A_406 : vector<16xf32>
      %mul3A_408 = arith.mulf %abs3A_407, %abs3A_407 : vector<16xf32>
      %mul3A_409 = arith.mulf %mul3A_408, %mul3A_408 : vector<16xf32>
      %mul3A_410 = arith.mulf %mul3A_409, %abs3A_407 : vector<16xf32>
      %add3A_411 = arith.addf %add3A_397, %mul3A_410 : vector<16xf32>
      %add3A_412 = arith.constant 2 : i32
      %add3A_413 = vector.broadcast %add3A_412 : i32 to vector<16xi32>
      %add3A_414 = arith.addi %add3A_376, %add3A_413 : vector<16xi32>
      %gather3A_415 = tpu.vector_load_idx %arg6[%add3A_414] : memref<98304xf32, #tpu.memory_space<vmem>>[vector<16xi32>], vector<16xf32>,
      %add3A_416 = arith.constant 2 : i32
      %add3A_417 = vector.broadcast %add3A_416 : i32 to vector<16xi32>
      %add3A_418 = arith.addi %add3A_383, %add3A_417 : vector<16xi32>
      %gather3A_419 = tpu.vector_load_idx %arg6[%add3A_418] : memref<98304xf32, #tpu.memory_space<vmem>>[vector<16xi32>], vector<16xf32>,
      %sub3A_420 = arith.subf %gather3A_419, %gather3A_415 : vector<16xf32>
      %abs3A_421 = math.absf %sub3A_420 : vector<16xf32>
      %mul3A_422 = arith.mulf %abs3A_421, %abs3A_421 : vector<16xf32>
      %mul3A_423 = arith.mulf %mul3A_422, %mul3A_422 : vector<16xf32>
      %mul3A_424 = arith.mulf %mul3A_423, %abs3A_421 : vector<16xf32>
      %add3A_425 = arith.addf %add3A_411, %mul3A_424 : vector<16xf32>
      %add3A_426 = arith.addf %broadcast_in_dim3A_366, %add3A_425 : vector<16xf32>
      %mul3A_427 = arith.constant 64 : i32
      %mul3A_428 = arith.muli %scan3A_359, %mul3A_427 : i32
      %add3A_429 = arith.constant 16 : i32
      %add3A_430 = arith.addi %mul3A_428, %add3A_429 : i32
      %get3A_431 = arith.index_cast %add3A_430 : i32 to index
      %get3A_432 = tpu.vector_load %arg7[%get3A_431] {strides = array<i32>} : memref<512xi32, #tpu.memory_space<vmem>>, vector<16xi32>,
      %mul3A_433 = arith.constant 3 : i32
      %mul3A_434 = vector.broadcast %mul3A_433 : i32 to vector<16xi32>
      %mul3A_435 = arith.muli %get3A_432, %mul3A_434 : vector<16xi32>
      %add3A_436 = vector.broadcast %add3A_365 : i32 to vector<16xi32>
      %add3A_437 = arith.addi %add3A_436, %mul3A_435 : vector<16xi32>
      %add3A_438 = arith.constant 16 : i32
      %add3A_439 = arith.addi %mul3A_2, %add3A_438 : i32
      %mul3A_440 = arith.constant 3 : i32
      %mul3A_441 = arith.muli %add3A_439, %mul3A_440 : i32
      %add3A_442 = arith.addi %mul3A_361, %mul3A_441 : i32
      %add3A_443 = vector.broadcast %add3A_442 : i32 to vector<16xi32>
      %add3A_444 = arith.addi %add3A_443, %mul3A_353 : vector<16xi32>
      %broadcast_in_dim3A_445 = arith.constant 0.000000e+00 : f32
      %broadcast_in_dim3A_446 = vector.broadcast %broadcast_in_dim3A_445 : f32 to vector<16xf32>
      %add3A_447 = arith.constant 0 : i32
      %add3A_448 = vector.broadcast %add3A_447 : i32 to vector<16xi32>
      %add3A_449 = arith.addi %add3A_437, %add3A_448 : vector<16xi32>
      %gather3A_450 = tpu.vector_load_idx %arg6[%add3A_449] : memref<98304xf32, #tpu.memory_space<vmem>>[vector<16xi32>], vector<16xf32>,
      %add3A_451 = arith.constant 0 : i32
      %add3A_452 = vector.broadcast %add3A_451 : i32 to vector<16xi32>
      %add3A_453 = arith.addi %add3A_444, %add3A_452 : vector<16xi32>
      %gather3A_454 = tpu.vector_load_idx %arg6[%add3A_453] : memref<98304xf32, #tpu.memory_space<vmem>>[vector<16xi32>], vector<16xf32>,
      %sub3A_455 = arith.subf %gather3A_454, %gather3A_450 : vector<16xf32>
      %abs3A_456 = math.absf %sub3A_455 : vector<16xf32>
      %mul3A_457 = arith.mulf %abs3A_456, %abs3A_456 : vector<16xf32>
      %mul3A_458 = arith.mulf %mul3A_457, %mul3A_457 : vector<16xf32>
      %mul3A_459 = arith.mulf %mul3A_458, %abs3A_456 : vector<16xf32>
      %add3A_460 = arith.addf %broadcast_in_dim3A_446, %mul3A_459 : vector<16xf32>
      %add3A_461 = arith.constant 1 : i32
      %add3A_462 = vector.broadcast %add3A_461 : i32 to vector<16xi32>
      %add3A_463 = arith.addi %add3A_437, %add3A_462 : vector<16xi32>
      %gather3A_464 = tpu.vector_load_idx %arg6[%add3A_463] : memref<98304xf32, #tpu.memory_space<vmem>>[vector<16xi32>], vector<16xf32>,
      %add3A_465 = arith.constant 1 : i32
      %add3A_466 = vector.broadcast %add3A_465 : i32 to vector<16xi32>
      %add3A_467 = arith.addi %add3A_444, %add3A_466 : vector<16xi32>
      %gather3A_468 = tpu.vector_load_idx %arg6[%add3A_467] : memref<98304xf32, #tpu.memory_space<vmem>>[vector<16xi32>], vector<16xf32>,
      %sub3A_469 = arith.subf %gather3A_468, %gather3A_464 : vector<16xf32>
      %abs3A_470 = math.absf %sub3A_469 : vector<16xf32>
      %mul3A_471 = arith.mulf %abs3A_470, %abs3A_470 : vector<16xf32>
      %mul3A_472 = arith.mulf %mul3A_471, %mul3A_471 : vector<16xf32>
      %mul3A_473 = arith.mulf %mul3A_472, %abs3A_470 : vector<16xf32>
      %add3A_474 = arith.addf %add3A_460, %mul3A_473 : vector<16xf32>
      %add3A_475 = arith.constant 2 : i32
      %add3A_476 = vector.broadcast %add3A_475 : i32 to vector<16xi32>
      %add3A_477 = arith.addi %add3A_437, %add3A_476 : vector<16xi32>
      %gather3A_478 = tpu.vector_load_idx %arg6[%add3A_477] : memref<98304xf32, #tpu.memory_space<vmem>>[vector<16xi32>], vector<16xf32>,
      %add3A_479 = arith.constant 2 : i32
      %add3A_480 = vector.broadcast %add3A_479 : i32 to vector<16xi32>
      %add3A_481 = arith.addi %add3A_444, %add3A_480 : vector<16xi32>
      %gather3A_482 = tpu.vector_load_idx %arg6[%add3A_481] : memref<98304xf32, #tpu.memory_space<vmem>>[vector<16xi32>], vector<16xf32>,
      %sub3A_483 = arith.subf %gather3A_482, %gather3A_478 : vector<16xf32>
      %abs3A_484 = math.absf %sub3A_483 : vector<16xf32>
      %mul3A_485 = arith.mulf %abs3A_484, %abs3A_484 : vector<16xf32>
      %mul3A_486 = arith.mulf %mul3A_485, %mul3A_485 : vector<16xf32>
      %mul3A_487 = arith.mulf %mul3A_486, %abs3A_484 : vector<16xf32>
      %add3A_488 = arith.addf %add3A_474, %mul3A_487 : vector<16xf32>
      %add3A_489 = arith.addf %add3A_426, %add3A_488 : vector<16xf32>
      %mul3A_490 = arith.constant 64 : i32
      %mul3A_491 = arith.muli %scan3A_359, %mul3A_490 : i32
      %add3A_492 = arith.constant 32 : i32
      %add3A_493 = arith.addi %mul3A_491, %add3A_492 : i32
      %get3A_494 = arith.index_cast %add3A_493 : i32 to index
      %get3A_495 = tpu.vector_load %arg7[%get3A_494] {strides = array<i32>} : memref<512xi32, #tpu.memory_space<vmem>>, vector<16xi32>,
      %mul3A_496 = arith.constant 3 : i32
      %mul3A_497 = vector.broadcast %mul3A_496 : i32 to vector<16xi32>
      %mul3A_498 = arith.muli %get3A_495, %mul3A_497 : vector<16xi32>
      %add3A_499 = vector.broadcast %add3A_365 : i32 to vector<16xi32>
      %add3A_500 = arith.addi %add3A_499, %mul3A_498 : vector<16xi32>
      %add3A_501 = arith.constant 32 : i32
      %add3A_502 = arith.addi %mul3A_2, %add3A_501 : i32
      %mul3A_503 = arith.constant 3 : i32
      %mul3A_504 = arith.muli %add3A_502, %mul3A_503 : i32
      %add3A_505 = arith.addi %mul3A_361, %mul3A_504 : i32
      %add3A_506 = vector.broadcast %add3A_505 : i32 to vector<16xi32>
      %add3A_507 = arith.addi %add3A_506, %mul3A_353 : vector<16xi32>
      %broadcast_in_dim3A_508 = arith.constant 0.000000e+00 : f32
      %broadcast_in_dim3A_509 = vector.broadcast %broadcast_in_dim3A_508 : f32 to vector<16xf32>
      %add3A_510 = arith.constant 0 : i32
      %add3A_511 = vector.broadcast %add3A_510 : i32 to vector<16xi32>
      %add3A_512 = arith.addi %add3A_500, %add3A_511 : vector<16xi32>
      %gather3A_513 = tpu.vector_load_idx %arg6[%add3A_512] : memref<98304xf32, #tpu.memory_space<vmem>>[vector<16xi32>], vector<16xf32>,
      %add3A_514 = arith.constant 0 : i32
      %add3A_515 = vector.broadcast %add3A_514 : i32 to vector<16xi32>
      %add3A_516 = arith.addi %add3A_507, %add3A_515 : vector<16xi32>
      %gather3A_517 = tpu.vector_load_idx %arg6[%add3A_516] : memref<98304xf32, #tpu.memory_space<vmem>>[vector<16xi32>], vector<16xf32>,
      %sub3A_518 = arith.subf %gather3A_517, %gather3A_513 : vector<16xf32>
      %abs3A_519 = math.absf %sub3A_518 : vector<16xf32>
      %mul3A_520 = arith.mulf %abs3A_519, %abs3A_519 : vector<16xf32>
      %mul3A_521 = arith.mulf %mul3A_520, %mul3A_520 : vector<16xf32>
      %mul3A_522 = arith.mulf %mul3A_521, %abs3A_519 : vector<16xf32>
      %add3A_523 = arith.addf %broadcast_in_dim3A_509, %mul3A_522 : vector<16xf32>
      %add3A_524 = arith.constant 1 : i32
      %add3A_525 = vector.broadcast %add3A_524 : i32 to vector<16xi32>
      %add3A_526 = arith.addi %add3A_500, %add3A_525 : vector<16xi32>
      %gather3A_527 = tpu.vector_load_idx %arg6[%add3A_526] : memref<98304xf32, #tpu.memory_space<vmem>>[vector<16xi32>], vector<16xf32>,
      %add3A_528 = arith.constant 1 : i32
      %add3A_529 = vector.broadcast %add3A_528 : i32 to vector<16xi32>
      %add3A_530 = arith.addi %add3A_507, %add3A_529 : vector<16xi32>
      %gather3A_531 = tpu.vector_load_idx %arg6[%add3A_530] : memref<98304xf32, #tpu.memory_space<vmem>>[vector<16xi32>], vector<16xf32>,
      %sub3A_532 = arith.subf %gather3A_531, %gather3A_527 : vector<16xf32>
      %abs3A_533 = math.absf %sub3A_532 : vector<16xf32>
      %mul3A_534 = arith.mulf %abs3A_533, %abs3A_533 : vector<16xf32>
      %mul3A_535 = arith.mulf %mul3A_534, %mul3A_534 : vector<16xf32>
      %mul3A_536 = arith.mulf %mul3A_535, %abs3A_533 : vector<16xf32>
      %add3A_537 = arith.addf %add3A_523, %mul3A_536 : vector<16xf32>
      %add3A_538 = arith.constant 2 : i32
      %add3A_539 = vector.broadcast %add3A_538 : i32 to vector<16xi32>
      %add3A_540 = arith.addi %add3A_500, %add3A_539 : vector<16xi32>
      %gather3A_541 = tpu.vector_load_idx %arg6[%add3A_540] : memref<98304xf32, #tpu.memory_space<vmem>>[vector<16xi32>], vector<16xf32>,
      %add3A_542 = arith.constant 2 : i32
      %add3A_543 = vector.broadcast %add3A_542 : i32 to vector<16xi32>
      %add3A_544 = arith.addi %add3A_507, %add3A_543 : vector<16xi32>
      %gather3A_545 = tpu.vector_load_idx %arg6[%add3A_544] : memref<98304xf32, #tpu.memory_space<vmem>>[vector<16xi32>], vector<16xf32>,
      %sub3A_546 = arith.subf %gather3A_545, %gather3A_541 : vector<16xf32>
      %abs3A_547 = math.absf %sub3A_546 : vector<16xf32>
      %mul3A_548 = arith.mulf %abs3A_547, %abs3A_547 : vector<16xf32>
      %mul3A_549 = arith.mulf %mul3A_548, %mul3A_548 : vector<16xf32>
      %mul3A_550 = arith.mulf %mul3A_549, %abs3A_547 : vector<16xf32>
      %add3A_551 = arith.addf %add3A_537, %mul3A_550 : vector<16xf32>
      %add3A_552 = arith.addf %add3A_489, %add3A_551 : vector<16xf32>
      %mul3A_553 = arith.constant 64 : i32
      %mul3A_554 = arith.muli %scan3A_359, %mul3A_553 : i32
      %add3A_555 = arith.constant 48 : i32
      %add3A_556 = arith.addi %mul3A_554, %add3A_555 : i32
      %get3A_557 = arith.index_cast %add3A_556 : i32 to index
      %get3A_558 = tpu.vector_load %arg7[%get3A_557] {strides = array<i32>} : memref<512xi32, #tpu.memory_space<vmem>>, vector<16xi32>,
      %mul3A_559 = arith.constant 3 : i32
      %mul3A_560 = vector.broadcast %mul3A_559 : i32 to vector<16xi32>
      %mul3A_561 = arith.muli %get3A_558, %mul3A_560 : vector<16xi32>
      %add3A_562 = vector.broadcast %add3A_365 : i32 to vector<16xi32>
      %add3A_563 = arith.addi %add3A_562, %mul3A_561 : vector<16xi32>
      %add3A_564 = arith.constant 48 : i32
      %add3A_565 = arith.addi %mul3A_2, %add3A_564 : i32
      %mul3A_566 = arith.constant 3 : i32
      %mul3A_567 = arith.muli %add3A_565, %mul3A_566 : i32
      %add3A_568 = arith.addi %mul3A_361, %mul3A_567 : i32
      %add3A_569 = vector.broadcast %add3A_568 : i32 to vector<16xi32>
      %add3A_570 = arith.addi %add3A_569, %mul3A_353 : vector<16xi32>
      %broadcast_in_dim3A_571 = arith.constant 0.000000e+00 : f32
      %broadcast_in_dim3A_572 = vector.broadcast %broadcast_in_dim3A_571 : f32 to vector<16xf32>
      %add3A_573 = arith.constant 0 : i32
      %add3A_574 = vector.broadcast %add3A_573 : i32 to vector<16xi32>
      %add3A_575 = arith.addi %add3A_563, %add3A_574 : vector<16xi32>
      %gather3A_576 = tpu.vector_load_idx %arg6[%add3A_575] : memref<98304xf32, #tpu.memory_space<vmem>>[vector<16xi32>], vector<16xf32>,
      %add3A_577 = arith.constant 0 : i32
      %add3A_578 = vector.broadcast %add3A_577 : i32 to vector<16xi32>
      %add3A_579 = arith.addi %add3A_570, %add3A_578 : vector<16xi32>
      %gather3A_580 = tpu.vector_load_idx %arg6[%add3A_579] : memref<98304xf32, #tpu.memory_space<vmem>>[vector<16xi32>], vector<16xf32>,
      %sub3A_581 = arith.subf %gather3A_580, %gather3A_576 : vector<16xf32>
      %abs3A_582 = math.absf %sub3A_581 : vector<16xf32>
      %mul3A_583 = arith.mulf %abs3A_582, %abs3A_582 : vector<16xf32>
      %mul3A_584 = arith.mulf %mul3A_583, %mul3A_583 : vector<16xf32>
      %mul3A_585 = arith.mulf %mul3A_584, %abs3A_582 : vector<16xf32>
      %add3A_586 = arith.addf %broadcast_in_dim3A_572, %mul3A_585 : vector<16xf32>
      %add3A_587 = arith.constant 1 : i32
      %add3A_588 = vector.broadcast %add3A_587 : i32 to vector<16xi32>
      %add3A_589 = arith.addi %add3A_563, %add3A_588 : vector<16xi32>
      %gather3A_590 = tpu.vector_load_idx %arg6[%add3A_589] : memref<98304xf32, #tpu.memory_space<vmem>>[vector<16xi32>], vector<16xf32>,
      %add3A_591 = arith.constant 1 : i32
      %add3A_592 = vector.broadcast %add3A_591 : i32 to vector<16xi32>
      %add3A_593 = arith.addi %add3A_570, %add3A_592 : vector<16xi32>
      %gather3A_594 = tpu.vector_load_idx %arg6[%add3A_593] : memref<98304xf32, #tpu.memory_space<vmem>>[vector<16xi32>], vector<16xf32>,
      %sub3A_595 = arith.subf %gather3A_594, %gather3A_590 : vector<16xf32>
      %abs3A_596 = math.absf %sub3A_595 : vector<16xf32>
      %mul3A_597 = arith.mulf %abs3A_596, %abs3A_596 : vector<16xf32>
      %mul3A_598 = arith.mulf %mul3A_597, %mul3A_597 : vector<16xf32>
      %mul3A_599 = arith.mulf %mul3A_598, %abs3A_596 : vector<16xf32>
      %add3A_600 = arith.addf %add3A_586, %mul3A_599 : vector<16xf32>
      %add3A_601 = arith.constant 2 : i32
      %add3A_602 = vector.broadcast %add3A_601 : i32 to vector<16xi32>
      %add3A_603 = arith.addi %add3A_563, %add3A_602 : vector<16xi32>
      %gather3A_604 = tpu.vector_load_idx %arg6[%add3A_603] : memref<98304xf32, #tpu.memory_space<vmem>>[vector<16xi32>], vector<16xf32>,
      %add3A_605 = arith.constant 2 : i32
      %add3A_606 = vector.broadcast %add3A_605 : i32 to vector<16xi32>
      %add3A_607 = arith.addi %add3A_570, %add3A_606 : vector<16xi32>
      %gather3A_608 = tpu.vector_load_idx %arg6[%add3A_607] : memref<98304xf32, #tpu.memory_space<vmem>>[vector<16xi32>], vector<16xf32>,
      %sub3A_609 = arith.subf %gather3A_608, %gather3A_604 : vector<16xf32>
      %abs3A_610 = math.absf %sub3A_609 : vector<16xf32>
      %mul3A_611 = arith.mulf %abs3A_610, %abs3A_610 : vector<16xf32>
      %mul3A_612 = arith.mulf %mul3A_611, %mul3A_611 : vector<16xf32>
      %mul3A_613 = arith.mulf %mul3A_612, %abs3A_610 : vector<16xf32>
      %add3A_614 = arith.addf %add3A_600, %mul3A_613 : vector<16xf32>
      %add3A_615 = arith.addf %add3A_552, %add3A_614 : vector<16xf32>
      %swap3A = arith.index_cast %scan3A_359 : i32 to index
      %swap3A_616 = arith.constant 0 : index
      %swap3A_617 = tpu.vector_load %arg9[%swap3A, %swap3A_616] {strides = array<i32>} : memref<16x16xf32, #tpu.memory_space<vmem>>, vector<16xf32>,
      tpu.vector_store %arg9[%swap3A, %swap3A_616], %add3A_615 {strides = array<i32>} : memref<16x16xf32, #tpu.memory_space<vmem>>, vector<16xf32>,
      %add3A_618 = arith.constant 8 : i32
      %add3A_619 = arith.addi %scan3A_359, %add3A_618 : i32
      %broadcast_in_dim3A_620 = arith.constant 0.000000e+00 : f32
      %broadcast_in_dim3A_621 = vector.broadcast %broadcast_in_dim3A_620 : f32 to vector<16xf32>
      %mul3A_622 = arith.constant 64 : i32
      %mul3A_623 = arith.muli %scan3A_359, %mul3A_622 : i32
      %add3A_624 = arith.constant 0 : i32
      %add3A_625 = arith.addi %mul3A_623, %add3A_624 : i32
      %get3A_626 = arith.index_cast %add3A_625 : i32 to index
      %get3A_627 = tpu.vector_load %arg8[%get3A_626] {strides = array<i32>} : memref<512xi32, #tpu.memory_space<vmem>>, vector<16xi32>,
      %mul3A_628 = arith.constant 3 : i32
      %mul3A_629 = vector.broadcast %mul3A_628 : i32 to vector<16xi32>
      %mul3A_630 = arith.muli %get3A_627, %mul3A_629 : vector<16xi32>
      %add3A_631 = vector.broadcast %mul3A_361 : i32 to vector<16xi32>
      %add3A_632 = arith.addi %add3A_631, %mul3A_630 : vector<16xi32>
      %add3A_633 = arith.constant 0 : i32
      %add3A_634 = arith.addi %mul3A_2, %add3A_633 : i32
      %mul3A_635 = arith.constant 3 : i32
      %mul3A_636 = arith.muli %add3A_634, %mul3A_635 : i32
      %add3A_637 = arith.addi %add3A_365, %mul3A_636 : i32
      %add3A_638 = vector.broadcast %add3A_637 : i32 to vector<16xi32>
      %add3A_639 = arith.addi %add3A_638, %mul3A_353 : vector<16xi32>
      %broadcast_in_dim3A_640 = arith.constant 0.000000e+00 : f32
      %broadcast_in_dim3A_641 = vector.broadcast %broadcast_in_dim3A_640 : f32 to vector<16xf32>
      %add3A_642 = arith.constant 0 : i32
      %add3A_643 = vector.broadcast %add3A_642 : i32 to vector<16xi32>
      %add3A_644 = arith.addi %add3A_632, %add3A_643 : vector<16xi32>
      %gather3A_645 = tpu.vector_load_idx %arg6[%add3A_644] : memref<98304xf32, #tpu.memory_space<vmem>>[vector<16xi32>], vector<16xf32>,
      %add3A_646 = arith.constant 0 : i32
      %add3A_647 = vector.broadcast %add3A_646 : i32 to vector<16xi32>
      %add3A_648 = arith.addi %add3A_639, %add3A_647 : vector<16xi32>
      %gather3A_649 = tpu.vector_load_idx %arg6[%add3A_648] : memref<98304xf32, #tpu.memory_space<vmem>>[vector<16xi32>], vector<16xf32>,
      %sub3A_650 = arith.subf %gather3A_649, %gather3A_645 : vector<16xf32>
      %abs3A_651 = math.absf %sub3A_650 : vector<16xf32>
      %mul3A_652 = arith.mulf %abs3A_651, %abs3A_651 : vector<16xf32>
      %mul3A_653 = arith.mulf %mul3A_652, %mul3A_652 : vector<16xf32>
      %mul3A_654 = arith.mulf %mul3A_653, %abs3A_651 : vector<16xf32>
      %add3A_655 = arith.addf %broadcast_in_dim3A_641, %mul3A_654 : vector<16xf32>
      %add3A_656 = arith.constant 1 : i32
      %add3A_657 = vector.broadcast %add3A_656 : i32 to vector<16xi32>
      %add3A_658 = arith.addi %add3A_632, %add3A_657 : vector<16xi32>
      %gather3A_659 = tpu.vector_load_idx %arg6[%add3A_658] : memref<98304xf32, #tpu.memory_space<vmem>>[vector<16xi32>], vector<16xf32>,
      %add3A_660 = arith.constant 1 : i32
      %add3A_661 = vector.broadcast %add3A_660 : i32 to vector<16xi32>
      %add3A_662 = arith.addi %add3A_639, %add3A_661 : vector<16xi32>
      %gather3A_663 = tpu.vector_load_idx %arg6[%add3A_662] : memref<98304xf32, #tpu.memory_space<vmem>>[vector<16xi32>], vector<16xf32>,
      %sub3A_664 = arith.subf %gather3A_663, %gather3A_659 : vector<16xf32>
      %abs3A_665 = math.absf %sub3A_664 : vector<16xf32>
      %mul3A_666 = arith.mulf %abs3A_665, %abs3A_665 : vector<16xf32>
      %mul3A_667 = arith.mulf %mul3A_666, %mul3A_666 : vector<16xf32>
      %mul3A_668 = arith.mulf %mul3A_667, %abs3A_665 : vector<16xf32>
      %add3A_669 = arith.addf %add3A_655, %mul3A_668 : vector<16xf32>
      %add3A_670 = arith.constant 2 : i32
      %add3A_671 = vector.broadcast %add3A_670 : i32 to vector<16xi32>
      %add3A_672 = arith.addi %add3A_632, %add3A_671 : vector<16xi32>
      %gather3A_673 = tpu.vector_load_idx %arg6[%add3A_672] : memref<98304xf32, #tpu.memory_space<vmem>>[vector<16xi32>], vector<16xf32>,
      %add3A_674 = arith.constant 2 : i32
      %add3A_675 = vector.broadcast %add3A_674 : i32 to vector<16xi32>
      %add3A_676 = arith.addi %add3A_639, %add3A_675 : vector<16xi32>
      %gather3A_677 = tpu.vector_load_idx %arg6[%add3A_676] : memref<98304xf32, #tpu.memory_space<vmem>>[vector<16xi32>], vector<16xf32>,
      %sub3A_678 = arith.subf %gather3A_677, %gather3A_673 : vector<16xf32>
      %abs3A_679 = math.absf %sub3A_678 : vector<16xf32>
      %mul3A_680 = arith.mulf %abs3A_679, %abs3A_679 : vector<16xf32>
      %mul3A_681 = arith.mulf %mul3A_680, %mul3A_680 : vector<16xf32>
      %mul3A_682 = arith.mulf %mul3A_681, %abs3A_679 : vector<16xf32>
      %add3A_683 = arith.addf %add3A_669, %mul3A_682 : vector<16xf32>
      %add3A_684 = arith.addf %broadcast_in_dim3A_621, %add3A_683 : vector<16xf32>
      %mul3A_685 = arith.constant 64 : i32
      %mul3A_686 = arith.muli %scan3A_359, %mul3A_685 : i32
      %add3A_687 = arith.constant 16 : i32
      %add3A_688 = arith.addi %mul3A_686, %add3A_687 : i32
      %get3A_689 = arith.index_cast %add3A_688 : i32 to index
      %get3A_690 = tpu.vector_load %arg8[%get3A_689] {strides = array<i32>} : memref<512xi32, #tpu.memory_space<vmem>>, vector<16xi32>,
      %mul3A_691 = arith.constant 3 : i32
      %mul3A_692 = vector.broadcast %mul3A_691 : i32 to vector<16xi32>
      %mul3A_693 = arith.muli %get3A_690, %mul3A_692 : vector<16xi32>
      %add3A_694 = vector.broadcast %mul3A_361 : i32 to vector<16xi32>
      %add3A_695 = arith.addi %add3A_694, %mul3A_693 : vector<16xi32>
      %add3A_696 = arith.constant 16 : i32
      %add3A_697 = arith.addi %mul3A_2, %add3A_696 : i32
      %mul3A_698 = arith.constant 3 : i32
      %mul3A_699 = arith.muli %add3A_697, %mul3A_698 : i32
      %add3A_700 = arith.addi %add3A_365, %mul3A_699 : i32
      %add3A_701 = vector.broadcast %add3A_700 : i32 to vector<16xi32>
      %add3A_702 = arith.addi %add3A_701, %mul3A_353 : vector<16xi32>
      %broadcast_in_dim3A_703 = arith.constant 0.000000e+00 : f32
      %broadcast_in_dim3A_704 = vector.broadcast %broadcast_in_dim3A_703 : f32 to vector<16xf32>
      %add3A_705 = arith.constant 0 : i32
      %add3A_706 = vector.broadcast %add3A_705 : i32 to vector<16xi32>
      %add3A_707 = arith.addi %add3A_695, %add3A_706 : vector<16xi32>
      %gather3A_708 = tpu.vector_load_idx %arg6[%add3A_707] : memref<98304xf32, #tpu.memory_space<vmem>>[vector<16xi32>], vector<16xf32>,
      %add3A_709 = arith.constant 0 : i32
      %add3A_710 = vector.broadcast %add3A_709 : i32 to vector<16xi32>
      %add3A_711 = arith.addi %add3A_702, %add3A_710 : vector<16xi32>
      %gather3A_712 = tpu.vector_load_idx %arg6[%add3A_711] : memref<98304xf32, #tpu.memory_space<vmem>>[vector<16xi32>], vector<16xf32>,
      %sub3A_713 = arith.subf %gather3A_712, %gather3A_708 : vector<16xf32>
      %abs3A_714 = math.absf %sub3A_713 : vector<16xf32>
      %mul3A_715 = arith.mulf %abs3A_714, %abs3A_714 : vector<16xf32>
      %mul3A_716 = arith.mulf %mul3A_715, %mul3A_715 : vector<16xf32>
      %mul3A_717 = arith.mulf %mul3A_716, %abs3A_714 : vector<16xf32>
      %add3A_718 = arith.addf %broadcast_in_dim3A_704, %mul3A_717 : vector<16xf32>
      %add3A_719 = arith.constant 1 : i32
      %add3A_720 = vector.broadcast %add3A_719 : i32 to vector<16xi32>
      %add3A_721 = arith.addi %add3A_695, %add3A_720 : vector<16xi32>
      %gather3A_722 = tpu.vector_load_idx %arg6[%add3A_721] : memref<98304xf32, #tpu.memory_space<vmem>>[vector<16xi32>], vector<16xf32>,
      %add3A_723 = arith.constant 1 : i32
      %add3A_724 = vector.broadcast %add3A_723 : i32 to vector<16xi32>
      %add3A_725 = arith.addi %add3A_702, %add3A_724 : vector<16xi32>
      %gather3A_726 = tpu.vector_load_idx %arg6[%add3A_725] : memref<98304xf32, #tpu.memory_space<vmem>>[vector<16xi32>], vector<16xf32>,
      %sub3A_727 = arith.subf %gather3A_726, %gather3A_722 : vector<16xf32>
      %abs3A_728 = math.absf %sub3A_727 : vector<16xf32>
      %mul3A_729 = arith.mulf %abs3A_728, %abs3A_728 : vector<16xf32>
      %mul3A_730 = arith.mulf %mul3A_729, %mul3A_729 : vector<16xf32>
      %mul3A_731 = arith.mulf %mul3A_730, %abs3A_728 : vector<16xf32>
      %add3A_732 = arith.addf %add3A_718, %mul3A_731 : vector<16xf32>
      %add3A_733 = arith.constant 2 : i32
      %add3A_734 = vector.broadcast %add3A_733 : i32 to vector<16xi32>
      %add3A_735 = arith.addi %add3A_695, %add3A_734 : vector<16xi32>
      %gather3A_736 = tpu.vector_load_idx %arg6[%add3A_735] : memref<98304xf32, #tpu.memory_space<vmem>>[vector<16xi32>], vector<16xf32>,
      %add3A_737 = arith.constant 2 : i32
      %add3A_738 = vector.broadcast %add3A_737 : i32 to vector<16xi32>
      %add3A_739 = arith.addi %add3A_702, %add3A_738 : vector<16xi32>
      %gather3A_740 = tpu.vector_load_idx %arg6[%add3A_739] : memref<98304xf32, #tpu.memory_space<vmem>>[vector<16xi32>], vector<16xf32>,
      %sub3A_741 = arith.subf %gather3A_740, %gather3A_736 : vector<16xf32>
      %abs3A_742 = math.absf %sub3A_741 : vector<16xf32>
      %mul3A_743 = arith.mulf %abs3A_742, %abs3A_742 : vector<16xf32>
      %mul3A_744 = arith.mulf %mul3A_743, %mul3A_743 : vector<16xf32>
      %mul3A_745 = arith.mulf %mul3A_744, %abs3A_742 : vector<16xf32>
      %add3A_746 = arith.addf %add3A_732, %mul3A_745 : vector<16xf32>
      %add3A_747 = arith.addf %add3A_684, %add3A_746 : vector<16xf32>
      %mul3A_748 = arith.constant 64 : i32
      %mul3A_749 = arith.muli %scan3A_359, %mul3A_748 : i32
      %add3A_750 = arith.constant 32 : i32
      %add3A_751 = arith.addi %mul3A_749, %add3A_750 : i32
      %get3A_752 = arith.index_cast %add3A_751 : i32 to index
      %get3A_753 = tpu.vector_load %arg8[%get3A_752] {strides = array<i32>} : memref<512xi32, #tpu.memory_space<vmem>>, vector<16xi32>,
      %mul3A_754 = arith.constant 3 : i32
      %mul3A_755 = vector.broadcast %mul3A_754 : i32 to vector<16xi32>
      %mul3A_756 = arith.muli %get3A_753, %mul3A_755 : vector<16xi32>
      %add3A_757 = vector.broadcast %mul3A_361 : i32 to vector<16xi32>
      %add3A_758 = arith.addi %add3A_757, %mul3A_756 : vector<16xi32>
      %add3A_759 = arith.constant 32 : i32
      %add3A_760 = arith.addi %mul3A_2, %add3A_759 : i32
      %mul3A_761 = arith.constant 3 : i32
      %mul3A_762 = arith.muli %add3A_760, %mul3A_761 : i32
      %add3A_763 = arith.addi %add3A_365, %mul3A_762 : i32
      %add3A_764 = vector.broadcast %add3A_763 : i32 to vector<16xi32>
      %add3A_765 = arith.addi %add3A_764, %mul3A_353 : vector<16xi32>
      %broadcast_in_dim3A_766 = arith.constant 0.000000e+00 : f32
      %broadcast_in_dim3A_767 = vector.broadcast %broadcast_in_dim3A_766 : f32 to vector<16xf32>
      %add3A_768 = arith.constant 0 : i32
      %add3A_769 = vector.broadcast %add3A_768 : i32 to vector<16xi32>
      %add3A_770 = arith.addi %add3A_758, %add3A_769 : vector<16xi32>
      %gather3A_771 = tpu.vector_load_idx %arg6[%add3A_770] : memref<98304xf32, #tpu.memory_space<vmem>>[vector<16xi32>], vector<16xf32>,
      %add3A_772 = arith.constant 0 : i32
      %add3A_773 = vector.broadcast %add3A_772 : i32 to vector<16xi32>
      %add3A_774 = arith.addi %add3A_765, %add3A_773 : vector<16xi32>
      %gather3A_775 = tpu.vector_load_idx %arg6[%add3A_774] : memref<98304xf32, #tpu.memory_space<vmem>>[vector<16xi32>], vector<16xf32>,
      %sub3A_776 = arith.subf %gather3A_775, %gather3A_771 : vector<16xf32>
      %abs3A_777 = math.absf %sub3A_776 : vector<16xf32>
      %mul3A_778 = arith.mulf %abs3A_777, %abs3A_777 : vector<16xf32>
      %mul3A_779 = arith.mulf %mul3A_778, %mul3A_778 : vector<16xf32>
      %mul3A_780 = arith.mulf %mul3A_779, %abs3A_777 : vector<16xf32>
      %add3A_781 = arith.addf %broadcast_in_dim3A_767, %mul3A_780 : vector<16xf32>
      %add3A_782 = arith.constant 1 : i32
      %add3A_783 = vector.broadcast %add3A_782 : i32 to vector<16xi32>
      %add3A_784 = arith.addi %add3A_758, %add3A_783 : vector<16xi32>
      %gather3A_785 = tpu.vector_load_idx %arg6[%add3A_784] : memref<98304xf32, #tpu.memory_space<vmem>>[vector<16xi32>], vector<16xf32>,
      %add3A_786 = arith.constant 1 : i32
      %add3A_787 = vector.broadcast %add3A_786 : i32 to vector<16xi32>
      %add3A_788 = arith.addi %add3A_765, %add3A_787 : vector<16xi32>
      %gather3A_789 = tpu.vector_load_idx %arg6[%add3A_788] : memref<98304xf32, #tpu.memory_space<vmem>>[vector<16xi32>], vector<16xf32>,
      %sub3A_790 = arith.subf %gather3A_789, %gather3A_785 : vector<16xf32>
      %abs3A_791 = math.absf %sub3A_790 : vector<16xf32>
      %mul3A_792 = arith.mulf %abs3A_791, %abs3A_791 : vector<16xf32>
      %mul3A_793 = arith.mulf %mul3A_792, %mul3A_792 : vector<16xf32>
      %mul3A_794 = arith.mulf %mul3A_793, %abs3A_791 : vector<16xf32>
      %add3A_795 = arith.addf %add3A_781, %mul3A_794 : vector<16xf32>
      %add3A_796 = arith.constant 2 : i32
      %add3A_797 = vector.broadcast %add3A_796 : i32 to vector<16xi32>
      %add3A_798 = arith.addi %add3A_758, %add3A_797 : vector<16xi32>
      %gather3A_799 = tpu.vector_load_idx %arg6[%add3A_798] : memref<98304xf32, #tpu.memory_space<vmem>>[vector<16xi32>], vector<16xf32>,
      %add3A_800 = arith.constant 2 : i32
      %add3A_801 = vector.broadcast %add3A_800 : i32 to vector<16xi32>
      %add3A_802 = arith.addi %add3A_765, %add3A_801 : vector<16xi32>
      %gather3A_803 = tpu.vector_load_idx %arg6[%add3A_802] : memref<98304xf32, #tpu.memory_space<vmem>>[vector<16xi32>], vector<16xf32>,
      %sub3A_804 = arith.subf %gather3A_803, %gather3A_799 : vector<16xf32>
      %abs3A_805 = math.absf %sub3A_804 : vector<16xf32>
      %mul3A_806 = arith.mulf %abs3A_805, %abs3A_805 : vector<16xf32>
      %mul3A_807 = arith.mulf %mul3A_806, %mul3A_806 : vector<16xf32>
      %mul3A_808 = arith.mulf %mul3A_807, %abs3A_805 : vector<16xf32>
      %add3A_809 = arith.addf %add3A_795, %mul3A_808 : vector<16xf32>
      %add3A_810 = arith.addf %add3A_747, %add3A_809 : vector<16xf32>
      %mul3A_811 = arith.constant 64 : i32
      %mul3A_812 = arith.muli %scan3A_359, %mul3A_811 : i32
      %add3A_813 = arith.constant 48 : i32
      %add3A_814 = arith.addi %mul3A_812, %add3A_813 : i32
      %get3A_815 = arith.index_cast %add3A_814 : i32 to index
      %get3A_816 = tpu.vector_load %arg8[%get3A_815] {strides = array<i32>} : memref<512xi32, #tpu.memory_space<vmem>>, vector<16xi32>,
      %mul3A_817 = arith.constant 3 : i32
      %mul3A_818 = vector.broadcast %mul3A_817 : i32 to vector<16xi32>
      %mul3A_819 = arith.muli %get3A_816, %mul3A_818 : vector<16xi32>
      %add3A_820 = vector.broadcast %mul3A_361 : i32 to vector<16xi32>
      %add3A_821 = arith.addi %add3A_820, %mul3A_819 : vector<16xi32>
      %add3A_822 = arith.constant 48 : i32
      %add3A_823 = arith.addi %mul3A_2, %add3A_822 : i32
      %mul3A_824 = arith.constant 3 : i32
      %mul3A_825 = arith.muli %add3A_823, %mul3A_824 : i32
      %add3A_826 = arith.addi %add3A_365, %mul3A_825 : i32
      %add3A_827 = vector.broadcast %add3A_826 : i32 to vector<16xi32>
      %add3A_828 = arith.addi %add3A_827, %mul3A_353 : vector<16xi32>
      %broadcast_in_dim3A_829 = arith.constant 0.000000e+00 : f32
      %broadcast_in_dim3A_830 = vector.broadcast %broadcast_in_dim3A_829 : f32 to vector<16xf32>
      %add3A_831 = arith.constant 0 : i32
      %add3A_832 = vector.broadcast %add3A_831 : i32 to vector<16xi32>
      %add3A_833 = arith.addi %add3A_821, %add3A_832 : vector<16xi32>
      %gather3A_834 = tpu.vector_load_idx %arg6[%add3A_833] : memref<98304xf32, #tpu.memory_space<vmem>>[vector<16xi32>], vector<16xf32>,
      %add3A_835 = arith.constant 0 : i32
      %add3A_836 = vector.broadcast %add3A_835 : i32 to vector<16xi32>
      %add3A_837 = arith.addi %add3A_828, %add3A_836 : vector<16xi32>
      %gather3A_838 = tpu.vector_load_idx %arg6[%add3A_837] : memref<98304xf32, #tpu.memory_space<vmem>>[vector<16xi32>], vector<16xf32>,
      %sub3A_839 = arith.subf %gather3A_838, %gather3A_834 : vector<16xf32>
      %abs3A_840 = math.absf %sub3A_839 : vector<16xf32>
      %mul3A_841 = arith.mulf %abs3A_840, %abs3A_840 : vector<16xf32>
      %mul3A_842 = arith.mulf %mul3A_841, %mul3A_841 : vector<16xf32>
      %mul3A_843 = arith.mulf %mul3A_842, %abs3A_840 : vector<16xf32>
      %add3A_844 = arith.addf %broadcast_in_dim3A_830, %mul3A_843 : vector<16xf32>
      %add3A_845 = arith.constant 1 : i32
      %add3A_846 = vector.broadcast %add3A_845 : i32 to vector<16xi32>
      %add3A_847 = arith.addi %add3A_821, %add3A_846 : vector<16xi32>
      %gather3A_848 = tpu.vector_load_idx %arg6[%add3A_847] : memref<98304xf32, #tpu.memory_space<vmem>>[vector<16xi32>], vector<16xf32>,
      %add3A_849 = arith.constant 1 : i32
      %add3A_850 = vector.broadcast %add3A_849 : i32 to vector<16xi32>
      %add3A_851 = arith.addi %add3A_828, %add3A_850 : vector<16xi32>
      %gather3A_852 = tpu.vector_load_idx %arg6[%add3A_851] : memref<98304xf32, #tpu.memory_space<vmem>>[vector<16xi32>], vector<16xf32>,
      %sub3A_853 = arith.subf %gather3A_852, %gather3A_848 : vector<16xf32>
      %abs3A_854 = math.absf %sub3A_853 : vector<16xf32>
      %mul3A_855 = arith.mulf %abs3A_854, %abs3A_854 : vector<16xf32>
      %mul3A_856 = arith.mulf %mul3A_855, %mul3A_855 : vector<16xf32>
      %mul3A_857 = arith.mulf %mul3A_856, %abs3A_854 : vector<16xf32>
      %add3A_858 = arith.addf %add3A_844, %mul3A_857 : vector<16xf32>
      %add3A_859 = arith.constant 2 : i32
      %add3A_860 = vector.broadcast %add3A_859 : i32 to vector<16xi32>
      %add3A_861 = arith.addi %add3A_821, %add3A_860 : vector<16xi32>
      %gather3A_862 = tpu.vector_load_idx %arg6[%add3A_861] : memref<98304xf32, #tpu.memory_space<vmem>>[vector<16xi32>], vector<16xf32>,
      %add3A_863 = arith.constant 2 : i32
      %add3A_864 = vector.broadcast %add3A_863 : i32 to vector<16xi32>
      %add3A_865 = arith.addi %add3A_828, %add3A_864 : vector<16xi32>
      %gather3A_866 = tpu.vector_load_idx %arg6[%add3A_865] : memref<98304xf32, #tpu.memory_space<vmem>>[vector<16xi32>], vector<16xf32>,
      %sub3A_867 = arith.subf %gather3A_866, %gather3A_862 : vector<16xf32>
      %abs3A_868 = math.absf %sub3A_867 : vector<16xf32>
      %mul3A_869 = arith.mulf %abs3A_868, %abs3A_868 : vector<16xf32>
      %mul3A_870 = arith.mulf %mul3A_869, %mul3A_869 : vector<16xf32>
      %mul3A_871 = arith.mulf %mul3A_870, %abs3A_868 : vector<16xf32>
      %add3A_872 = arith.addf %add3A_858, %mul3A_871 : vector<16xf32>
      %add3A_873 = arith.addf %add3A_810, %add3A_872 : vector<16xf32>
      %swap3A_874 = arith.index_cast %add3A_619 : i32 to index
      %swap3A_875 = arith.constant 0 : index
      %swap3A_876 = tpu.vector_load %arg9[%swap3A_874, %swap3A_875] {strides = array<i32>} : memref<16x16xf32, #tpu.memory_space<vmem>>, vector<16xf32>,
      tpu.vector_store %arg9[%swap3A_874, %swap3A_875], %add3A_873 {strides = array<i32>} : memref<16x16xf32, #tpu.memory_space<vmem>>, vector<16xf32>,
    }
    %scan3A_358 = arith.constant 8 : i32
    "tpu.region"() ({
      %run_scoped3A = tpu.sem_alloc : memref<!tpu.dma_semaphore, #tpu.memory_space<semaphore_mem>>
      %dma_start3A_359 = arith.constant 0 : i32
      %dma_start3A_360 = arith.constant 0 : i32
      %dma_start3A_361 = tpu.memref_slice %arg5[%add3A, %dma_start3A_359, %dma_start3A_360] : memref<32x16x16xf32, #tpu.memory_space<hbm>> -> memref<1x16x16xf32, #tpu.memory_space<hbm>>
      %dma_start3A_362 = tpu.memref_squeeze %dma_start3A_361 : memref<1x16x16xf32, #tpu.memory_space<hbm>> -> memref<16x16xf32, #tpu.memory_space<hbm>>
      %dma_start3A_363 = arith.constant 0 : i32
      %dma_start3A_364 = arith.constant 0 : i32
      %dma_start3A_365 = tpu.memref_slice %arg5[%add3A, %dma_start3A_363, %dma_start3A_364] : memref<32x16x16xf32, #tpu.memory_space<hbm>> -> memref<1x16x16xf32, #tpu.memory_space<hbm>>
      %dma_start3A_366 = tpu.memref_squeeze %dma_start3A_365 : memref<1x16x16xf32, #tpu.memory_space<hbm>> -> memref<16x16xf32, #tpu.memory_space<hbm>>
      tpu.enqueue_dma source(%arg9 : memref<16x16xf32, #tpu.memory_space<vmem>>) target(%dma_start3A_366 : memref<16x16xf32, #tpu.memory_space<hbm>>) target_semaphore(%run_scoped3A : memref<!tpu.dma_semaphore, #tpu.memory_space<semaphore_mem>>)
      %dma_wait3A_367 = arith.constant 0 : i32
      %dma_wait3A_368 = arith.constant 0 : i32
      %dma_wait3A_369 = tpu.memref_slice %arg5[%add3A, %dma_wait3A_367, %dma_wait3A_368] : memref<32x16x16xf32, #tpu.memory_space<hbm>> -> memref<1x16x16xf32, #tpu.memory_space<hbm>>
      %dma_wait3A_370 = tpu.memref_squeeze %dma_wait3A_369 : memref<1x16x16xf32, #tpu.memory_space<hbm>> -> memref<16x16xf32, #tpu.memory_space<hbm>>
      %dma_wait3A_371 = arith.constant 0 : i32
      %dma_wait3A_372 = arith.constant 0 : i32
      %dma_wait3A_373 = tpu.memref_slice %arg5[%add3A, %dma_wait3A_371, %dma_wait3A_372] : memref<32x16x16xf32, #tpu.memory_space<hbm>> -> memref<1x16x16xf32, #tpu.memory_space<hbm>>
      %dma_wait3A_374 = tpu.memref_squeeze %dma_wait3A_373 : memref<1x16x16xf32, #tpu.memory_space<hbm>> -> memref<16x16xf32, #tpu.memory_space<hbm>>
      tpu.wait_dma2 semaphore(%run_scoped3A : memref<!tpu.dma_semaphore, #tpu.memory_space<semaphore_mem>>) src(%arg9 : memref<16x16xf32, #tpu.memory_space<vmem>>) dst(%dma_wait3A_374 : memref<16x16xf32, #tpu.memory_space<hbm>>)
      tpu.yield
    }) : () -> ()
    return
  }
}

module attributes {stable_mosaic.version = 14 : i64} {
  func.func @_tc_score_body(%arg0: i32, %arg1: i32, %arg2: memref<1x2048x3xf32, #tpu.memory_space<vmem>>, %arg3: memref<1x2048x3xf32, #tpu.memory_space<vmem>>, %arg4: memref<1x1x1x1024xi32, #tpu.memory_space<vmem>>, %arg5: memref<1x1x1x1024xi32, #tpu.memory_space<vmem>>) attributes {dimension_semantics = [#tpu.dimension_semantics<arbitrary>, #tpu.dimension_semantics<arbitrary>], iteration_bounds = array<i64: 8, 2>, scalar_prefetch = 0 : i64, scratch_operands = 0 : i64, tpu.core_type = #tpu.core_type<tc>, window_params = [{transform_indices = @transform_0, window_bounds = array<i64: 1, 2048, 3>}, {transform_indices = @transform_1, window_bounds = array<i64: 1, 2048, 3>}, {transform_indices = @transform_2, window_bounds = array<i64: 1, 1, 1, 1024>}, {transform_indices = @transform_3, window_bounds = array<i64: 1, 1, 1, 1024>}]} {
    %get3A = arith.constant 0 : index
    %get3A_0 = arith.constant 0 : index
    %get3A_1 = arith.constant 0 : index
    %get3A_2 = vector.load %arg2[%get3A, %get3A_0, %get3A_1] : memref<1x2048x3xf32, #tpu.memory_space<vmem>>, vector<1x2048x3xf32>
    %get3A_3 = vector.shape_cast %get3A_2 : vector<1x2048x3xf32> to vector<2048x3xf32>
    %get3A_4 = arith.constant 0 : index
    %get3A_5 = arith.constant 0 : index
    %get3A_6 = arith.constant 0 : index
    %get3A_7 = vector.load %arg3[%get3A_4, %get3A_5, %get3A_6] : memref<1x2048x3xf32, #tpu.memory_space<vmem>>, vector<1x2048x3xf32>
    %get3A_8 = vector.shape_cast %get3A_7 : vector<1x2048x3xf32> to vector<2048x3xf32>
    %mul3A = arith.constant 1024 : i32
    %mul3A_9 = arith.muli %arg1, %mul3A : i32
    %get3A_10 = arith.constant 0 : index
    %get3A_11 = arith.index_cast %mul3A_9 : i32 to index
    %get3A_12 = arith.constant 0 : index
    %get3A_13 = vector.load %arg2[%get3A_10, %get3A_11, %get3A_12] : memref<1x2048x3xf32, #tpu.memory_space<vmem>>, vector<1x1024x3xf32>
    %get3A_14 = vector.shape_cast %get3A_13 : vector<1x1024x3xf32> to vector<1024x3xf32>
    %mul3A_15 = arith.constant 1024 : i32
    %mul3A_16 = arith.muli %arg1, %mul3A_15 : i32
    %get3A_17 = arith.constant 0 : index
    %get3A_18 = arith.index_cast %mul3A_16 : i32 to index
    %get3A_19 = arith.constant 0 : index
    %get3A_20 = vector.load %arg3[%get3A_17, %get3A_18, %get3A_19] : memref<1x2048x3xf32, #tpu.memory_space<vmem>>, vector<1x1024x3xf32>
    %get3A_21 = vector.shape_cast %get3A_20 : vector<1x1024x3xf32> to vector<1024x3xf32>
    %mul3A_22 = arith.mulf %get3A_3, %get3A_3 : vector<2048x3xf32>
    %reduce_sum3A = arith.constant dense<0.000000e+00> : vector<2048xf32>
    %reduce_sum3A_23 = vector.multi_reduction <add>, %mul3A_22, %reduce_sum3A [1] : vector<2048x3xf32> to vector<2048xf32>
    %broadcast_in_dim3A = vector.shape_cast %reduce_sum3A_23 : vector<2048xf32> to vector<2048x1xf32>
    %mul3A_24 = arith.mulf %get3A_8, %get3A_8 : vector<2048x3xf32>
    %reduce_sum3A_25 = arith.constant dense<0.000000e+00> : vector<2048xf32>
    %reduce_sum3A_26 = vector.multi_reduction <add>, %mul3A_24, %reduce_sum3A_25 [1] : vector<2048x3xf32> to vector<2048xf32>
    %broadcast_in_dim3A_27 = vector.shape_cast %reduce_sum3A_26 : vector<2048xf32> to vector<2048x1xf32>
    %broadcast_in_dim3A_28 = arith.constant 1.000000e+00 : f32
    %broadcast_in_dim3A_29 = vector.broadcast %broadcast_in_dim3A_28 : f32 to vector<1024x1xf32>
    %mul3A_30 = arith.constant -5.000000e-01 : f32
    %mul3A_31 = vector.broadcast %mul3A_30 : f32 to vector<2048x1xf32>
    %mul3A_32 = arith.mulf %mul3A_31, %broadcast_in_dim3A_27 : vector<2048x1xf32>
    %concatenate3A = tpu.concatenate %get3A_8, %mul3A_32 in 1 : vector<2048x3xf32>, vector<2048x1xf32> -> vector<2048x4xf32>
    %concatenate3A_33 = tpu.concatenate %get3A_14, %broadcast_in_dim3A_29 in 1 : vector<1024x3xf32>, vector<1024x1xf32> -> vector<1024x4xf32>
    %dot_general3A = arith.constant dense<0.000000e+00> : vector<2048x1024xf32>
    %dot_general3A_34 = tpu.matmul %concatenate3A, %concatenate3A_33, %dot_general3A {dimension_numbers = #tpu.dot_dimension_numbers<[1], [1], [0], [0], [0, 0, 1, 0], [], []>, transpose_lhs_hint = false} : vector<2048x4xf32>, vector<1024x4xf32>, vector<2048x1024xf32> -> vector<2048x1024xf32>
    %argmax3A = tpu.reduce_index %dot_general3A_34 {axis = 0 : i32, kind = #tpu.reduction_kind<arg_max>} : vector<2048x1024xf32> -> vector<1024xi32>
    %reshape3A = vector.shape_cast %argmax3A : vector<1024xi32> to vector<1x1x1x1024xi32>
    %swap3A = arith.constant 0 : index
    %swap3A_35 = arith.constant 0 : index
    %swap3A_36 = arith.constant 0 : index
    %swap3A_37 = arith.constant 0 : index
    %swap3A_38 = vector.load %arg4[%swap3A, %swap3A_35, %swap3A_36, %swap3A_37] : memref<1x1x1x1024xi32, #tpu.memory_space<vmem>>, vector<1x1x1x1024xi32>
    tpu.vector_store %arg4[%swap3A, %swap3A_35, %swap3A_36, %swap3A_37], %reshape3A {strides = array<i32>} : memref<1x1x1x1024xi32, #tpu.memory_space<vmem>>, vector<1x1x1x1024xi32>,
    %mul3A_39 = arith.constant -5.000000e-01 : f32
    %mul3A_40 = vector.broadcast %mul3A_39 : f32 to vector<2048x1xf32>
    %mul3A_41 = arith.mulf %mul3A_40, %broadcast_in_dim3A : vector<2048x1xf32>
    %concatenate3A_42 = tpu.concatenate %get3A_3, %mul3A_41 in 1 : vector<2048x3xf32>, vector<2048x1xf32> -> vector<2048x4xf32>
    %concatenate3A_43 = tpu.concatenate %get3A_21, %broadcast_in_dim3A_29 in 1 : vector<1024x3xf32>, vector<1024x1xf32> -> vector<1024x4xf32>
    %dot_general3A_44 = arith.constant dense<0.000000e+00> : vector<2048x1024xf32>
    %dot_general3A_45 = tpu.matmul %concatenate3A_42, %concatenate3A_43, %dot_general3A_44 {dimension_numbers = #tpu.dot_dimension_numbers<[1], [1], [0], [0], [0, 0, 1, 0], [], []>, transpose_lhs_hint = false} : vector<2048x4xf32>, vector<1024x4xf32>, vector<2048x1024xf32> -> vector<2048x1024xf32>
    %argmax3A_46 = tpu.reduce_index %dot_general3A_45 {axis = 0 : i32, kind = #tpu.reduction_kind<arg_max>} : vector<2048x1024xf32> -> vector<1024xi32>
    %reshape3A_47 = vector.shape_cast %argmax3A_46 : vector<1024xi32> to vector<1x1x1x1024xi32>
    %swap3A_48 = arith.constant 0 : index
    %swap3A_49 = arith.constant 0 : index
    %swap3A_50 = arith.constant 0 : index
    %swap3A_51 = arith.constant 0 : index
    %swap3A_52 = vector.load %arg5[%swap3A_48, %swap3A_49, %swap3A_50, %swap3A_51] : memref<1x1x1x1024xi32, #tpu.memory_space<vmem>>, vector<1x1x1x1024xi32>
    tpu.vector_store %arg5[%swap3A_48, %swap3A_49, %swap3A_50, %swap3A_51], %reshape3A_47 {strides = array<i32>} : memref<1x1x1x1024xi32, #tpu.memory_space<vmem>>, vector<1x1x1x1024xi32>,
    return
  }
  func.func @transform_0(%arg0: i32, %arg1: i32) -> (i32, i32, i32) {
    %c0_i32 = arith.constant 0 : i32
    %c0_i32_0 = arith.constant 0 : i32
    %c0_i32_1 = arith.constant 0 : i32
    return %arg0, %c0_i32, %c0_i32_0 : i32, i32, i32
  }
  func.func @transform_1(%arg0: i32, %arg1: i32) -> (i32, i32, i32) {
    %c0_i32 = arith.constant 0 : i32
    %c0_i32_0 = arith.constant 0 : i32
    %c0_i32_1 = arith.constant 0 : i32
    return %arg0, %c0_i32, %c0_i32_0 : i32, i32, i32
  }
  func.func @transform_2(%arg0: i32, %arg1: i32) -> (i32, i32, i32, i32) {
    %c0_i32 = arith.constant 0 : i32
    %c0_i32_0 = arith.constant 0 : i32
    %c0_i32_1 = arith.constant 0 : i32
    return %arg0, %arg1, %c0_i32, %c0_i32_0 : i32, i32, i32, i32
  }
  func.func @transform_3(%arg0: i32, %arg1: i32) -> (i32, i32, i32, i32) {
    %c0_i32 = arith.constant 0 : i32
    %c0_i32_0 = arith.constant 0 : i32
    %c0_i32_1 = arith.constant 0 : i32
    return %arg0, %arg1, %c0_i32, %c0_i32_0 : i32, i32, i32, i32
  }
}

module attributes {stable_mosaic.version = 14 : i64} {
  func.func @_epilogue_body(%arg0: memref<16x512xf32, #tpu.memory_space<vmem>>, %arg1: memref<1x1xf32, #tpu.memory_space<vmem>>) attributes {dimension_semantics = [], scalar_prefetch = 0 : i64, scratch_operands = 0 : i64, tpu.core_type = #tpu.core_type<tc>} {
    %get3A = arith.constant 0 : index
    %get3A_0 = arith.constant 0 : index
    %get3A_1 = vector.load %arg0[%get3A, %get3A_0] : memref<16x512xf32, #tpu.memory_space<vmem>>, vector<16x512xf32>
    %reduce_sum3A = arith.constant dense<0.000000e+00> : vector<16xf32>
    %reduce_sum3A_2 = vector.multi_reduction <add>, %get3A_1, %reduce_sum3A [1] : vector<16x512xf32> to vector<16xf32>
    %broadcast_in_dim3A = vector.shape_cast %reduce_sum3A_2 : vector<16xf32> to vector<16x1xf32>
    %pow3A = arith.constant 2.000000e-01 : f32
    %pow3A_3 = vector.broadcast %pow3A : f32 to vector<16x1xf32>
    %pow3A_4 = math.powf %broadcast_in_dim3A, %pow3A_3 : vector<16x1xf32>
    %reduce_sum3A_5 = vector.shape_cast %pow3A_4 : vector<16x1xf32> to vector<1x16x1xf32>
    %reduce_sum3A_6 = arith.constant dense<0.000000e+00> : vector<1xf32>
    %reduce_sum3A_7 = vector.multi_reduction <add>, %reduce_sum3A_5, %reduce_sum3A_6 [1, 2] : vector<1x16x1xf32> to vector<1xf32>
    %reduce_sum3A_8 = vector.shape_cast %reduce_sum3A_7 : vector<1xf32> to vector<1x1x1xf32>
    %reduce_sum3A_9 = vector.extract %reduce_sum3A_8[0, 0, 0] : f32 from vector<1x1x1xf32>
    %broadcast_in_dim3A_10 = vector.broadcast %reduce_sum3A_9 : f32 to vector<1x1xf32>
    %mul3A = arith.constant 1.250000e-01 : f32
    %mul3A_11 = vector.broadcast %mul3A : f32 to vector<1x1xf32>
    %mul3A_12 = arith.mulf %broadcast_in_dim3A_10, %mul3A_11 : vector<1x1xf32>
    %swap3A = arith.constant 0 : index
    %swap3A_13 = arith.constant 0 : index
    %swap3A_14 = vector.load %arg1[%swap3A, %swap3A_13] : memref<1x1xf32, #tpu.memory_space<vmem>>, vector<1x1xf32>
    tpu.vector_store %arg1[%swap3A, %swap3A_13], %mul3A_12 {strides = array<i32>} : memref<1x1xf32, #tpu.memory_space<vmem>>, vector<1x1xf32>,
    return
  }
}

</mosaic_0001>

<sc_bundles>
// kernel: kernel.5.cloned.1.call-start
scs
__scs_entry_jumppad:
0x0: {  	(pc) =	sbr.rel $0x88, $3  }
0x1: {  	(tag) =	ssettag $0x0;
	lr =	simm.s32 $0x1  }
0x2: {  	[smem:$0x3F9F] =	sst lr;
	_ =	strace $0xD0000000  }
0x3: {  	_ = 	snop  }
0x4: {  	_ = 	snop  }
0x5: {  	_ = 	snop  }
0x6: {  	_ = 	snop  }
0x7: {  	_ = 	snop  }
__scs_overlays_trampoline_lowered:
0x8: {  	[smem:$0x3FAE] =	sst s0  }
0x9: {  	[smem:$0x3FAF] =	sst s1  }
0xa: {  	[smem:$0x3FB0] =	sst s2  }
0xb: {  	[smem:$0x3FB1] =	sst s3  }
0xc: {  	[smem:$0x3FB2] =	sst s4  }
0xd: {  	[smem:$0x3FB3] =	sst s5  }
0xe: {  	[smem:$0x3FB4] =	sst s6  }
0xf: {  	[smem:$0x3FB5] =	sst s7  }
0x10: {  	[smem:$0x3FB6] =	sst s8  }
0x11: {  	[smem:$0x3FB7] =	sst s9;
	s0 =	simm.s32 @!p0 $0x0  }
0x12: {  	s1 =	sld [smem:$0x3F9D];
	s0 =	simm.s32 @p0 $0x1  }
0x13: {  	[smem:$0x3FB8] =	sst s0;
	s0 =	simm.s32 @!p1 $0x0  }
0x14: {  	s2 =	sld [smem:$0x3F9C];
	s0 =	simm.s32 @p1 $0x1  }
0x15: {  	[smem:$0x3FB9] =	sst s0;
	s0 =	simm.s32 @!p2 $0x0  }
0x16: {  	s3 =	sld [smem:$0x3FDB];
	s0 =	simm.s32 @p2 $0x1  }
0x17: {  	s4 =	simm.s32 $0x1BF5;
	[smem:$0x3FBB] =	sst s0  }
0x18: {  	s0 =	sld [smem:$0x3F9E];
	_ =	swait.ge [sflag:s4], $0x0  }
0x19: {  	s7 =	sld [smem:$0x3F9F]  }
0x1a: {  	s8 =	sadd.s32 $0xFFFFE003, lr  }
0x1b: {  	s9 =	sadd.s32 $0xFFFFFEF7, lr;
	s5 =	simm.s32 $0xFFFFFFFF;
	p2 =	slt.u32 s8, $0xFFFFF086  }
0x1c: {  	p1 =	slt.u32 s9, $0xF7A;
	s5 =	simm.s32 @!p2 $0x0  }
0x1d: {  	s5 =	simm.s32 @p1 $0x1;
	p0 =	seq.s32 s7, s2  }
0x1e: {  	s7 =	smul.u32 @!p0 $0xF7A, s2;
	p2 =	seq.s32 @!p0 s5, $0x0  }
0x1f: {  	s9 =	smul.u32 $0xF7A, s1;
	s8 =	simm.s32 @!p0 $0x1BF5;
	p2 =	por !p2, p0  }
0x20: {  	[sflag:s8] =	ssyncset.s32 @!p0 $0xFFFFF086;
	s6 =	sadd.s32 @!p0 s3, s7;
	s7 =	simm.s32 @!p0 $0x108  }
0x21: {  	s3 =	sadd.s32 s3, s9;
	s6 =	sadd.s32 @!p0 $0x88, s6;
	s7 =	simm.s32 @p2 $0x1082  }
0x22: {  	[simem:s7], [sflag:s8] =	dma.local @!p0 [hbm:s6], $0xF7A  }
0x23: {  	s9 =	sor.u32 $0xD0000000, s2;
	s6 =	simm.s32 $0x108;
	_ =	swait.ge @!p0 [sflag:s8], $0x0  }
0x24: {  	s3 =	sadd.s32 $0x88, s3;
	s6 =	simm.s32 @!p1 $0x1082;
	[sflag:s4] =	ssyncset.s32 $0xFFFFF086  }
0x25: {  	[simem:s6], [sflag:s4] =	dma.local [hbm:s3], $0xF7A  }
0x26: {  	[smem:$0x3F9F] =	sst s1;
	(tag) =	ssettag s2;
	_ =	strace s9  }
0x27: {  	s1 =	sld [smem:$0x3FAF]  }
0x28: {  	s2 =	sld [smem:$0x3FB0]  }
0x29: {  	s4 =	sld [smem:$0x3FB2]  }
0x2a: {  	p0 =	seq.s32 s5, $0x0;
	s5 =	sld [smem:$0x3FB3]  }
0x2b: {  	s6 =	sld [smem:$0x3FB4]  }
0x2c: {  	s7 =	sld [smem:$0x3FB5]  }
0x2d: {  	s3 =	simm.s32 $0x108;
	s8 =	sld [smem:$0x3FB6]  }
0x2e: {  	s3 =	simm.s32 @!p0 $0x1082;
	s9 =	sld [smem:$0x3FB7]  }
0x2f: {  	lr =	sadd.s32 s0, s3;
	s0 =	sld [smem:$0x3FAE]  }
0x30: {  	s3 =	sld [smem:$0x3FB1]  }
0x31: {  	[smem:$0x3FBA] =	sst s10  }
0x32: {  	s10 =	sld [smem:$0x3FB8];
	_ =	sdelay $0x3  }
0x33: {  	p0 =	seq.s32 s10, $0x1;
	s10 =	sld [smem:$0x3FBA];
	_ =	sdelay $0x3  }
0x34: {  	[smem:$0x3FBA] =	sst s10  }
0x35: {  	s10 =	sld [smem:$0x3FB9];
	_ =	sdelay $0x3  }
0x36: {  	p1 =	seq.s32 s10, $0x1;
	s10 =	sld [smem:$0x3FBA];
	_ =	sdelay $0x3  }
0x37: {  	[smem:$0x3FBA] =	sst s10  }
0x38: {  	s10 =	sld [smem:$0x3FBB]  }
0x39: {  	_ = 	snop;
	(pc) =	sbr.ind lr, $3  }
0x3a: {  	_ = 	snop  }
0x3b: {  	_ = 	snop  }
0x3c: {  	p2 =	seq.s32 s10, $0x1;
	s10 =	sld [smem:$0x3FBA]  }
0x3d: {  	_ =	shalt  }
0x3e: {  	_ =	shalt  }
0x3f: {  	_ =	shalt  }
0x40: {  	_ =	shalt  }
0x41: {  	_ =	shalt  }
0x42: {  	_ =	shalt  }
0x43: {  	_ =	shalt  }
0x44: {  	_ =	shalt  }
0x45: {  	_ =	shalt  }
0x46: {  	_ =	shalt  }
0x47: {  	_ =	shalt  }
0x48: {  	_ =	shalt  }
0x49: {  	_ =	shalt  }
0x4a: {  	_ =	shalt  }
0x4b: {  	_ =	shalt  }
0x4c: {  	_ =	shalt  }
0x4d: {  	_ =	shalt  }
0x4e: {  	_ =	shalt  }
0x4f: {  	_ =	shalt  }
0x50: {  	_ =	shalt  }
0x51: {  	_ =	shalt  }
0x52: {  	_ =	shalt  }
0x53: {  	_ =	shalt  }
0x54: {  	_ =	shalt  }
0x55: {  	_ =	shalt  }
0x56: {  	_ =	shalt  }
0x57: {  	_ =	shalt  }
0x58: {  	_ =	shalt  }
0x59: {  	_ =	shalt  }
0x5a: {  	_ =	shalt  }
0x5b: {  	_ =	shalt  }
0x5c: {  	_ =	shalt  }
0x5d: {  	_ =	shalt  }
0x5e: {  	_ =	shalt  }
0x5f: {  	_ =	shalt  }
0x60: {  	_ =	shalt  }
0x61: {  	_ =	shalt  }
0x62: {  	_ =	shalt  }
0x63: {  	_ =	shalt  }
0x64: {  	_ =	shalt  }
0x65: {  	_ =	shalt  }
0x66: {  	_ =	shalt  }
0x67: {  	_ =	shalt  }
0x68: {  	_ =	shalt  }
0x69: {  	_ =	shalt  }
0x6a: {  	_ =	shalt  }
0x6b: {  	_ =	shalt  }
0x6c: {  	_ =	shalt  }
0x6d: {  	_ =	shalt  }
0x6e: {  	_ =	shalt  }
0x6f: {  	_ =	shalt  }
0x70: {  	_ =	shalt  }
0x71: {  	_ =	shalt  }
0x72: {  	_ =	shalt  }
0x73: {  	_ =	shalt  }
0x74: {  	_ =	shalt  }
0x75: {  	_ =	shalt  }
0x76: {  	_ =	shalt  }
0x77: {  	_ =	shalt  }
0x78: {  	_ =	shalt  }
0x79: {  	_ =	shalt  }
0x7a: {  	_ =	shalt  }
0x7b: {  	_ =	shalt  }
0x7c: {  	_ =	shalt  }
0x7d: {  	_ =	shalt  }
0x7e: {  	_ =	shalt  }
0x7f: {  	_ =	shalt  }
0x80: {  	_ =	shalt  }
0x81: {  	_ =	shalt  }
0x82: {  	_ =	shalt  }
0x83: {  	_ =	shalt  }
0x84: {  	_ =	shalt  }
0x85: {  	_ =	shalt  }
0x86: {  	_ =	shalt  }
0x87: {  	_ =	shalt  }
.Lfunc_end0:
.L_simem_size_0:
called_computation_lowered:
.L_overlay_start_0:
0x88: {  	s2 =	sld [smem:$0x3FD9]  }
0x89: {  	s3 =	sld [smem:$0x3FFE];
	_ =	sdelay $0x1  }
0x8a: {  	s1 =	srdreg.scid  }
0x8b: {  	s0 =	sand.u32 $0x1, s1  }
0x8c: {  	s16 =	sshll.u32 s0, $0xA;
	s2 =	sadd.s32 s3, s2  }
0x8d: {  	s2 =	sadd.s32 s2, s16  }
0x8e: {  	[smem:$0x3FC6] =	sst s2  }
0x8f: {  	_ = 	snop  }
0x90: {  	(tm) =	ssettm $0x1  }
0x91: {  	s17 =	sld [smem:$0x3FFB];
	_ =	sdelay $0x3  }
0x92: {  	_ =	strace s17  }
0x93: {  	s2 =	sld [smem:$0x3FFC];
	_ =	sdelay $0x3  }
0x94: {  	_ =	strace s2  }
0x95: {  	s2 =	sld [smem:$0x3FFD];
	_ =	sdelay $0x3  }
0x96: {  	_ =	strace s2  }
0x97: {  	_ =	strace $0x8FFFFFFF  }
0x98: {  	s18 =	sld [smem:$0x3FDB];
	_ =	sdelay $0x1  }
0x99: {  	s19 =	simm.s32 $_scs_section_size  }
0x9a: {  	s4 =	simm.s32 $_size__tile_overlayer_lowered;
	s5 =	simm.s32 $_tile_overlayer_lowered  }
0x9b: {  	s22 =	simm.s32 $0x1BFF;
	s21 =	sshll.u32 s5, $0x1;
	s2 =	sadd.s32 s19, s18  }
0x9c: {  	s6 =	simm.s32 $0x0;
	s20 =	sshll.u32 s4, $0x1;
	s4 =	sadd.s32 s21, s2  }
0x9d: {  	[timem:s6], [sflag:s22] =	dma.local [hbm:s4], s20  }
0x9e: {  	_ =	swait.ge [sflag:s22], s20  }
0x9f: {  	s3 =	ssub.s32 $0x0, s20;
	[sflag:s22] =	ssyncset.done $0x0  }
0xa0: {  	[sflag:s22] =	ssyncadd.s32 s3;
	_ =	sdelay $0x1  }
0xa1: {  	s23 =	simm.s32 $0x1B8B  }
0xa2: {  	_ =	swait.ge [sflag:s23], $0x1  }
0xa3: {  	[sflag:s23] =	ssyncset.done $0x0  }
0xa4: {  	s25 =	simm.s32 $0x1B8E;
	s24 =	sld [smem:$0x3FFE];
	[sflag:s23] =	ssyncadd.s32 $0xFFFFFFFF  }
0xa5: {  	s26 =	simm.s32 $execute0_lowered;
	[smem:$0x3FD2] =	sst s25  }
0xa6: {  	s4 =	sshll.u32 s26, $0x1;
	_ =	strace $0x80000046;
	[dreg:$0x1] =	wrdreg $0xFFFFFFFF  }
0xa7: {  	s28 =	simm.s32 $_size_execute0_lowered;
	s2 =	sadd.s32 s2, s4;
	[dreg:$0x0] =	wrdreg $0x0  }
0xa8: {  	s4 =	sshll.u32 s28, $0x1;
	[dreg:$0x2] =	wrdreg s2  }
0xa9: {  	[dreg:$0x3] =	wrdreg s4  }
0xaa: {  	[dreg:$0x4] =	wrdreg $0xC0  }
0xab: {  	_ =	task [dreg:s6], $0x5FFFF  }
0xac: {  	[dreg:$0x1] =	wrdreg $0xFFFFFFFF  }
0xad: {  	[dreg:$0x0] =	wrdreg $0x60  }
0xae: {  	[dreg:$0x2] =	wrdreg s24  }
0xaf: {  	[dreg:$0x3] =	wrdreg $0x9  }
0xb0: {  	_ =	task.clear_ibuf [dreg:s6], $0x4FFFF;
	_ =	strace $0x90000046  }
0xb1: {  	s29 =	simm.s32 $0x9;
	_ =	strace $0x80000048  }
0xb2: {  	_ =	swait.ge [sflag:s29], $0x1  }
0xb3: {  	[sflag:s29] =	ssyncadd.s32 $0xFFFFFFFF  }
0xb4: {  	_ =	strace $0x90000048  }
0xb5: {  	_ =	sfence  }
0xb6: {  	s30 =	sld [smem:$0x0];
	_ =	sdelay $0x2  }
0xb7: {  	s31 =	sshll.u32 s1, $0xD;
	s1 =	sshrl.u32 s1, $0x2  }
0xb8: {  	s3 =	sand.u32 $0x4000, s31;
	s1 =	sadd.s32 s1, s30  }
0xb9: {  	s0 =	sor.u32 s3, s0;
	s1 =	sshll.u32 s1, $0x11  }
0xba: {  	s0 =	sor.u32 s1, s0  }
0xbb: {  	s0 =	sadd.s32 $0x8F2B, s0  }
0xbc: {  	[sflag:s0] =	ssyncadd.remote.s32 $0x1  }
0xbd: {  	_ =	sfence.sel $0xFFFF  }
0xbe: {  	[dreg:$0x0] =	wrdreg $0xFFFFFFFF;
	(pc) =	sbr.abs _section_cstart, $3  }
0xbf: {  	[dreg:$0x1] =	wrdreg $0xFFFFFFFF  }
0xc0: {  	_ =	task.clear_ibuf [dreg:s6], $0x2FFFF;
	_ =	strace $0x9FFFFFFF  }
0xc1: {  	(tm) =	ssettm $0x7FFFFFFF  }
tec
execute0_lowered:
.L_overlay_start_1:
0x0: {  	(tag) =	ssettag $0x1  }
0x1: {  	s0 =	rddreg [dreg:$0x0];
	s2 =	simm.s32 $0x0  }
0x2: {  	s1 =	srdreg.scid;
	s18 =	stileid.u32;
	s30 =	simm.s32 $0x1  }
0x3: {  	[smem:$0x7FF] =	sst s2;
	s3 =	sadd.s32 $0x1C00, s0;
	s1 =	sand.u32 $0x1, s1  }
0x4: {  	s23 =	sshll.u32 s18, $0x1;
	s4 =	sadd.s32 $0xC00, s0;
	s6 =	sadd.s32 $0x1400, s0  }
0x5: {  	s22 =	smul.u32 $0x180, s18;
	_ =	strace $0x80000047;
	[dreg:$0x2] =	wrdreg s3  }
0x6: {  	s3 =	sor.u32 s1, s23;
	s5 =	ssub.s32 $0x2, s1;
	s1 =	smul.u32 $0xC0, s1  }
0x7: {  	s7 =	sshll.u32 s3, $0x8;
	s8 =	sshrl.u32 s5, $0x1;
	s3 =	sshll.u32 s3, $0x3  }
0x8: {  	s0 =	sadd.s32 s7, s0;
	s5 =	ssub.s32 s5, s8;
	s24 =	sadd.s32 s4, s3  }
0x9: {  	s25 =	sadd.s32 s6, s3;
	s26 =	sor.u32 $0x100, s3;
	s9 =	sor.u32 $0x200, s3  }
0xa: {  	s11 =	sor.u32 $0x300, s3;
	s13 =	sor.u32 $0x400, s3;
	s15 =	sor.u32 $0x500, s3  }
0xb: {  	s17 =	sor.u32 $0x600, s3;
	s3 =	sor.u32 $0x700, s3;
	[dreg:$0x3] =	wrdreg s24  }
0xc: {  	s22 =	sadd.s32 s1, s22;
	s1 =	simm.s32 $0x0;
	[dreg:$0x4] =	wrdreg s25  }
0xd: {  	s28 =	sadd.s32 s4, s26;
	s7 =	sadd.s32 s6, s26;
	s29 =	sadd.s32 s4, s9  }
0xe: {  	s31 =	sadd.s32 s6, s9;
	s10 =	sadd.s32 s4, s11;
	s11 =	sadd.s32 s6, s11  }
0xf: {  	s12 =	sadd.s32 s4, s13;
	s13 =	sadd.s32 s6, s13;
	s14 =	sadd.s32 s4, s15  }
0x10: {  	v0 =	vlaneseq.u32;
	s15 =	sadd.s32 s6, s15;
	s16 =	sadd.s32 s4, s17;
	[dreg:$0x5] =	wrdreg s28  }
0x11: {  	v0 =	vmul.u32 $0x3, v0;
	s17 =	sadd.s32 s6, s17;
	s18 =	sadd.s32 s4, s3;
	[dreg:$0x6] =	wrdreg s7  }
0x12: {  	s19 =	sadd.s32 s6, s3;
	s20 =	sadd.s32 $0x4C00, s0;
	[dreg:$0x7] =	wrdreg s29  }
0x13: {  	v1 =	vadd.s32 $0x1, v0;
	v2 =	vadd.s32 $0x2, v0;
	s21 =	smax.u32 s5, $0x1;
	s0 =	simm.s32 $0x2;
	[dreg:$0x8] =	wrdreg s31  }
.LBB2_1:
0x14: {  	s3 =	rddreg [dreg:$0x2]  }
0x15: {  	[tilespmem:s2], [sflag:$0x1] =	stream.linear.gather [hbm4b:s3+s2], $0x18000, $0x38;
	[tilespmem:$0x18C00] =	vst v63  }
0x16: {  	s23 =	rddreg [dreg:$0x3];
	s4 =	simm.s32 $0x18000  }
0x17: {  	[tilespmem:s4], [sflag:$0x1] =	stream.linear.gather [hbm4b:s23+s2], $0x40, $0x38;
	[tilespmem:$0x18C00] =	vst v63  }
0x18: {  	s24 =	rddreg [dreg:$0x4];
	s25 =	simm.s32 $0x18200  }
0x19: {  	[tilespmem:s25], [sflag:$0x1] =	stream.linear.gather [hbm4b:s24+s2], $0x40, $0x38;
	[tilespmem:$0x18C00] =	vst v63  }
0x1a: {  	s26 =	rddreg [dreg:$0x5];
	s31 =	simm.s32 $0x18040  }
0x1b: {  	[tilespmem:s31], [sflag:$0x1] =	stream.linear.gather [hbm4b:s26+s2], $0x40, $0x38;
	[tilespmem:$0x18C00] =	vst v63  }
0x1c: {  	s5 =	simm.s32 $0x18240;
	s4 =	rddreg [dreg:$0x6]  }
0x1d: {  	[tilespmem:s5], [sflag:$0x1] =	stream.linear.gather [hbm4b:s4+s2], $0x40, $0x38;
	[tilespmem:$0x18C00] =	vst v63  }
0x1e: {  	s6 =	rddreg [dreg:$0x7];
	s7 =	simm.s32 $0x18080  }
0x1f: {  	[tilespmem:s7], [sflag:$0x1] =	stream.linear.gather [hbm4b:s6+s2], $0x40, $0x38;
	[tilespmem:$0x18C00] =	vst v63  }
0x20: {  	s8 =	rddreg [dreg:$0x8];
	s9 =	simm.s32 $0x18280  }
0x21: {  	[tilespmem:s9], [sflag:$0x1] =	stream.linear.gather [hbm4b:s8+s2], $0x40, $0x38;
	[tilespmem:$0x18C00] =	vst v63  }
0x22: {  	s23 =	simm.s32 $0x180C0  }
0x23: {  	[tilespmem:s23], [sflag:$0x1] =	stream.linear.gather [hbm4b:s10+s2], $0x40, $0x38;
	[tilespmem:$0x18C00] =	vst v63  }
0x24: {  	s24 =	simm.s32 $0x182C0  }
0x25: {  	[tilespmem:s24], [sflag:$0x1] =	stream.linear.gather [hbm4b:s11+s2], $0x40, $0x38;
	[tilespmem:$0x18C00] =	vst v63  }
0x26: {  	s25 =	simm.s32 $0x18100  }
0x27: {  	[tilespmem:s25], [sflag:$0x1] =	stream.linear.gather [hbm4b:s12+s2], $0x40, $0x38;
	[tilespmem:$0x18C00] =	vst v63  }
0x28: {  	s26 =	simm.s32 $0x18300  }
0x29: {  	[tilespmem:s26], [sflag:$0x1] =	stream.linear.gather [hbm4b:s13+s2], $0x40, $0x38;
	[tilespmem:$0x18C00] =	vst v63  }
0x2a: {  	s31 =	simm.s32 $0x18140  }
0x2b: {  	[tilespmem:s31], [sflag:$0x1] =	stream.linear.gather [hbm4b:s14+s2], $0x40, $0x38;
	[tilespmem:$0x18C00] =	vst v63  }
0x2c: {  	s4 =	simm.s32 $0x18340  }
0x2d: {  	[tilespmem:s4], [sflag:$0x1] =	stream.linear.gather [hbm4b:s15+s2], $0x40, $0x38;
	[tilespmem:$0x18C00] =	vst v63  }
0x2e: {  	s5 =	simm.s32 $0x18180  }
0x2f: {  	[tilespmem:s5], [sflag:$0x1] =	stream.linear.gather [hbm4b:s16+s2], $0x40, $0x38;
	[tilespmem:$0x18C00] =	vst v63  }
0x30: {  	s6 =	simm.s32 $0x18380  }
0x31: {  	[tilespmem:s6], [sflag:$0x1] =	stream.linear.gather [hbm4b:s17+s2], $0x40, $0x38;
	[tilespmem:$0x18C00] =	vst v63  }
0x32: {  	s7 =	simm.s32 $0x181C0  }
0x33: {  	[tilespmem:s7], [sflag:$0x1] =	stream.linear.gather [hbm4b:s18+s2], $0x40, $0x38;
	[tilespmem:$0x18C00] =	vst v63  }
0x34: {  	s8 =	simm.s32 $0x183C0  }
0x35: {  	[tilespmem:s8], [sflag:$0x1] =	stream.linear.gather [hbm4b:s19+s2], $0x40, $0x38;
	[tilespmem:$0x18C00] =	vst v63  }
0x36: {  	_ =	swait.ge [sflag:s30], $0x18000  }
0x37: {  	[sflag:s30] =	ssyncset.done $0x0  }
0x38: {  	[sflag:s30] =	ssyncadd.s32 $0xFFFE8000  }
0x39: {  	_ =	swait.ge [sflag:s30], $0x40  }
0x3a: {  	[sflag:s30] =	ssyncset.done $0x0  }
0x3b: {  	[sflag:s30] =	ssyncadd.s32 $0xFFFFFFC0  }
0x3c: {  	_ =	swait.ge [sflag:s30], $0x40  }
0x3d: {  	[sflag:s30] =	ssyncset.done $0x0  }
0x3e: {  	[sflag:s30] =	ssyncadd.s32 $0xFFFFFFC0  }
0x3f: {  	_ =	swait.ge [sflag:s30], $0x40  }
0x40: {  	[sflag:s30] =	ssyncset.done $0x0  }
0x41: {  	[sflag:s30] =	ssyncadd.s32 $0xFFFFFFC0  }
0x42: {  	_ =	swait.ge [sflag:s30], $0x40  }
0x43: {  	[sflag:s30] =	ssyncset.done $0x0  }
0x44: {  	[sflag:s30] =	ssyncadd.s32 $0xFFFFFFC0  }
0x45: {  	_ =	swait.ge [sflag:s30], $0x40  }
0x46: {  	[sflag:s30] =	ssyncset.done $0x0  }
0x47: {  	[sflag:s30] =	ssyncadd.s32 $0xFFFFFFC0  }
0x48: {  	_ =	swait.ge [sflag:s30], $0x40  }
0x49: {  	[sflag:s30] =	ssyncset.done $0x0  }
0x4a: {  	[sflag:s30] =	ssyncadd.s32 $0xFFFFFFC0  }
0x4b: {  	_ =	swait.ge [sflag:s30], $0x40  }
0x4c: {  	[sflag:s30] =	ssyncset.done $0x0  }
0x4d: {  	[sflag:s30] =	ssyncadd.s32 $0xFFFFFFC0  }
0x4e: {  	_ =	swait.ge [sflag:s30], $0x40  }
0x4f: {  	[sflag:s30] =	ssyncset.done $0x0  }
0x50: {  	[sflag:s30] =	ssyncadd.s32 $0xFFFFFFC0  }
0x51: {  	_ =	swait.ge [sflag:s30], $0x40  }
0x52: {  	[sflag:s30] =	ssyncset.done $0x0  }
0x53: {  	[sflag:s30] =	ssyncadd.s32 $0xFFFFFFC0  }
0x54: {  	_ =	swait.ge [sflag:s30], $0x40  }
0x55: {  	[sflag:s30] =	ssyncset.done $0x0  }
0x56: {  	[sflag:s30] =	ssyncadd.s32 $0xFFFFFFC0  }
0x57: {  	_ =	swait.ge [sflag:s30], $0x40  }
0x58: {  	[sflag:s30] =	ssyncset.done $0x0  }
0x59: {  	[sflag:s30] =	ssyncadd.s32 $0xFFFFFFC0  }
0x5a: {  	_ =	swait.ge [sflag:s30], $0x40  }
0x5b: {  	[sflag:s30] =	ssyncset.done $0x0  }
0x5c: {  	[sflag:s30] =	ssyncadd.s32 $0xFFFFFFC0  }
0x5d: {  	_ =	swait.ge [sflag:s30], $0x40  }
0x5e: {  	[sflag:s30] =	ssyncset.done $0x0  }
0x5f: {  	[sflag:s30] =	ssyncadd.s32 $0xFFFFFFC0  }
0x60: {  	_ =	swait.ge [sflag:s30], $0x40  }
0x61: {  	[sflag:s30] =	ssyncset.done $0x0  }
0x62: {  	[sflag:s30] =	ssyncadd.s32 $0xFFFFFFC0  }
0x63: {  	_ =	swait.ge [sflag:s30], $0x40  }
0x64: {  	[sflag:s30] =	ssyncset.done $0x0  }
0x65: {  	[sflag:s30] =	ssyncadd.s32 $0xFFFFFFC0  }
0x66: {  	_ =	swait.ge [sflag:s30], $0x40  }
0x67: {  	[sflag:s30] =	ssyncset.done $0x0  }
0x68: {  	s9 =	sadd.s32 $0x0, s22;
	s23 =	simm.s32 $0x18020;
	[sflag:s30] =	ssyncadd.s32 $0xFFFFFFC0  }
0x69: {  	s5 =	sadd.s32 $0x30, s9;
	v4 =	vld [tilespmem:s23+$0xFFFFFFF0]  }
0x6a: {  	v5 =	vadd.s32 s5, v1;
	v6 =	vld [tilespmem:s23+$0xFFFFFFE0]  }
0x6b: {  	v7 =	vor.u32 s9, v2  }
0x6c: {  	v8 =	vor.u32 s9, v1  }
0x6d: {  	v10 =	vor.u32 s9, v0;
	v9 =	vld [tilespmem:s23+$0x10]  }
0x6e: {  	v12 =	vadd.s32 s5, v2;
	v11 =	vld [tilespmem:s23+$0x0];
	v4 =	vmul.u32 $0x3, v4  }
0x6f: {  	v13 =	vadd.s32 s5, v0;
	s6 =	simm.s32 $0xC000;
	v5 =	vld.idx.msk [tilespmem:v5+s2+$0x0], $0xffff;
	v6 =	vmul.u32 $0x3, v6  }
0x70: {  	v7 =	vld.idx.msk [tilespmem:v7+s2+$0x0], $0xffff;
	v4 =	vadd.s32 s6, v4  }
0x71: {  	v8 =	vld.idx.msk [tilespmem:v8+s2+$0x0], $0xffff;
	v6 =	vadd.s32 s6, v6  }
0x72: {  	v10 =	vld.idx.msk [tilespmem:v10+s2+$0x0], $0xffff;
	v14 =	vadd.s32 $0x2, v4  }
0x73: {  	v12 =	vld.idx.msk [tilespmem:v12+s2+$0x0], $0xffff;
	v15 =	vadd.s32 $0x2, v6  }
0x74: {  	v13 =	vld.idx.msk [tilespmem:v13+s2+$0x0], $0xffff;
	v16 =	vadd.s32 $0x1, v6  }
0x75: {  	s24 =	sadd.s32 $0x90, s9;
	v17 =	vadd.s32 $0x1, v4;
	v4 =	vld.idx.msk [tilespmem:v4+s2+$0x0], $0xffff  }
0x76: {  	v3 =	vadd.s32 s24, v0;
	s25 =	sadd.s32 $0x60, s9;
	v6 =	vld.idx.msk [tilespmem:v6+s2+$0x0], $0xffff  }
0x77: {  	v18 =	vadd.s32 s25, v2;
	v14 =	vld.idx.msk [tilespmem:v14+s2+$0x0], $0xffff  }
0x78: {  	v19 =	vadd.s32 s25, v1;
	v9 =	vmul.u32 $0x3, v9;
	v15 =	vld.idx.msk [tilespmem:v15+s2+$0x0], $0xffff  }
0x79: {  	v20 =	vadd.s32 s25, v0;
	v11 =	vmul.u32 $0x3, v11;
	v16 =	vld.idx.msk [tilespmem:v16+s2+$0x0], $0xffff  }
0x7a: {  	v9 =	vadd.s32 s6, v9;
	v17 =	vld.idx.msk [tilespmem:v17+s2+$0x0], $0xffff  }
0x7b: {  	v3 =	vld.idx.msk [tilespmem:v3+s2+$0x0], $0xffff;
	v11 =	vadd.s32 s6, v11;
	v22 =	vadd.s32 $0x2, v9  }
0x7c: {  	v23 =	vadd.s32 s24, v2;
	v18 =	vld.idx.msk [tilespmem:v18+s2+$0x0], $0xffff;
	v21 =	vadd.s32 $0x1, v11;
	v4 =	vsub.f32 v13, v4  }
0x7d: {  	v13 =	vld.idx.msk [tilespmem:v19+s2+$0x0], $0xffff;
	v19 =	vadd.s32 $0x1, v9;
	v6 =	vsub.f32 v10, v6;
	v12 =	vsub.f32 v12, v14  }
0x7e: {  	v20 =	vld.idx.msk [tilespmem:v20+s2+$0x0], $0xffff;
	v14 =	vadd.s32 $0x2, v11;
	v8 =	vsub.f32 v8, v16;
	v7 =	vsub.f32 v7, v15  }
0x7f: {  	v9 =	vld.idx.msk [tilespmem:v9+s2+$0x0], $0xffff;
	v5 =	vsub.f32 v5, v17;
	v17 =	vadd.s32 s24, v1;
	v24 =	vmul.f32 v4, v4  }
0x80: {  	v15 =	vld.idx.msk [tilespmem:v22+s2+$0x0], $0xffff;
	v16 =	vmul.f32 v6, v6;
	v4 =	vand.u32 $0x7FFFFFFF, v4;
	v10 =	vmul.f32 v12, v12  }
0x81: {  	v22 =	vld.idx.msk [tilespmem:v23+s2+$0x0], $0xffff;
	v6 =	vand.u32 $0x7FFFFFFF, v6;
	v23 =	vmul.f32 v8, v8;
	v25 =	vmul.f32 v7, v7  }
0x82: {  	v11 =	vld.idx.msk [tilespmem:v11+s2+$0x0], $0xffff;
	v8 =	vand.u32 $0x7FFFFFFF, v8;
	v26 =	vmul.f32 v5, v5;
	v7 =	vand.u32 $0x7FFFFFFF, v7  }
0x83: {  	v21 =	vld.idx.msk [tilespmem:v21+s2+$0x0], $0xffff;
	v12 =	vand.u32 $0x7FFFFFFF, v12;
	v24 =	vmul.f32 v24, v24;
	v10 =	vmul.f32 v10, v10  }
0x84: {  	v23 =	vmul.f32 v23, v23;
	v19 =	vld.idx.msk [tilespmem:v19+s2+$0x0], $0xffff;
	v3 =	vsub.f32 v3, v9;
	v9 =	vmul.f32 v16, v16  }
0x85: {  	v5 =	vand.u32 $0x7FFFFFFF, v5;
	v14 =	vld.idx.msk [tilespmem:v14+s2+$0x0], $0xffff;
	v4 =	vmul.f32 v24, v4;
	v24 =	vmul.f32 v26, v26  }
0x86: {  	v25 =	vmul.f32 v25, v25;
	v17 =	vld.idx.msk [tilespmem:v17+s2+$0x0], $0xffff;
	v15 =	vsub.f32 v22, v15;
	v8 =	vmul.f32 v23, v8  }
0x87: {  	v11 =	vsub.f32 v20, v11;
	v6 =	vmul.f32 v9, v6;
	v5 =	vmul.f32 v24, v5  }
0x88: {  	v7 =	vmul.f32 v25, v7;
	v10 =	vmul.f32 v10, v12;
	v12 =	vsub.f32 v13, v21  }
0x89: {  	v16 =	vmul.f32 v11, v11;
	v6 =	vadd.f32 v8, v6;
	v4 =	vadd.f32 v5, v4  }
0x8a: {  	v5 =	vand.u32 $0x7FFFFFFF, v12;
	v12 =	vmul.f32 v12, v12;
	v13 =	vsub.f32 v18, v14  }
0x8b: {  	v16 =	vmul.f32 v16, v16;
	v14 =	vmul.f32 v15, v15;
	v17 =	vsub.f32 v17, v19  }
0x8c: {  	v6 =	vadd.f32 v7, v6;
	v4 =	vadd.f32 v10, v4;
	v18 =	vmul.f32 v13, v13  }
0x8d: {  	v10 =	vand.u32 $0x7FFFFFFF, v11;
	v11 =	vmul.f32 v12, v12;
	v12 =	vmul.f32 v17, v17  }
0x8e: {  	v9 =	vmul.f32 v18, v18;
	v18 =	vand.u32 $0x7FFFFFFF, v3;
	v3 =	vmul.f32 v3, v3  }
0x8f: {  	v8 =	vmul.f32 v16, v10;
	v10 =	vand.u32 $0x7FFFFFFF, v13;
	v5 =	vmul.f32 v11, v5  }
0x90: {  	v13 =	vand.u32 $0x7FFFFFFF, v17;
	v12 =	vmul.f32 v12, v12;
	v3 =	vmul.f32 v3, v3  }
0x91: {  	v5 =	vadd.f32 v5, v8;
	v8 =	vmul.f32 v14, v14;
	v9 =	vmul.f32 v9, v10  }
0x92: {  	v7 =	vmul.f32 v12, v13;
	v3 =	vmul.f32 v3, v18  }
0x93: {  	v4 =	vadd.f32 v4, v6;
	v6 =	vand.u32 $0x7FFFFFFF, v15  }
0x94: {  	v6 =	vmul.f32 v8, v6;
	v5 =	vadd.f32 v9, v5;
	v3 =	vadd.f32 v7, v3;
	_ =	sdelay $0x1  }
0x95: {  	v4 =	vadd.f32 v5, v4;
	v3 =	vadd.f32 v6, v3  }
0x96: {  	s29 =	sadd.s32 $0xC090, s9  }
0x97: {  	s26 =	sadd.s32 $0xC060, s9;
	v5 =	vadd.s32 s29, v1;
	v3 =	vadd.f32 v3, v4  }
0x98: {  	s31 =	sadd.s32 $0xC000, s9;
	s24 =	simm.s32 $0x18800;
	v6 =	vadd.s32 s26, v1  }
0x99: {  	s25 =	simm.s32 $0x18220;
	v8 =	vor.u32 s31, v2;
	[tilespmem:s24+$0xFFFFFC00] =	vst v3  }
0x9a: {  	s3 =	sadd.s32 $0xC030, s9;
	v7 =	vld [tilespmem:s25+$0xFFFFFFE0]  }
0x9b: {  	v10 =	vadd.s32 s3, v0;
	v9 =	vld [tilespmem:s25+$0xFFFFFFF0]  }
0x9c: {  	v11 =	vadd.s32 s3, v1;
	v3 =	vld.idx.msk [tilespmem:v5+s2+$0x0], $0xffff  }
0x9d: {  	v5 =	vld.idx.msk [tilespmem:v6+s2+$0x0], $0xffff  }
0x9e: {  	v4 =	vadd.s32 s26, v2;
	v16 =	vld.idx.msk [tilespmem:v8+s2+$0x0], $0xffff  }
0x9f: {  	v8 =	vor.u32 s31, v0;
	v13 =	vld [tilespmem:s25+$0x10];
	v6 =	vmul.u32 $0x3, v7  }
0xa0: {  	v12 =	vld.idx.msk [tilespmem:v10+s2+$0x0], $0xffff;
	v7 =	vor.u32 s31, v1;
	v9 =	vmul.u32 $0x3, v9  }
0xa1: {  	v11 =	vld.idx.msk [tilespmem:v11+s2+$0x0], $0xffff;
	v6 =	vadd.s32 s2, v6  }
0xa2: {  	v15 =	vld [tilespmem:s25+$0x0];
	v9 =	vadd.s32 s2, v9  }
0xa3: {  	v4 =	vld.idx.msk [tilespmem:v4+s2+$0x0], $0xffff;
	v10 =	vadd.s32 $0x1, v6  }
0xa4: {  	v8 =	vld.idx.msk [tilespmem:v8+s2+$0x0], $0xffff;
	v13 =	vmul.u32 $0x3, v13;
	v14 =	vadd.s32 $0x1, v9  }
0xa5: {  	v17 =	vld.idx.msk [tilespmem:v7+s2+$0x0], $0xffff;
	v7 =	vadd.s32 $0x2, v6  }
0xa6: {  	v13 =	vadd.s32 s2, v13;
	v18 =	vld.idx.msk [tilespmem:v6+s2+$0x0], $0xffff  }
0xa7: {  	v15 =	vmul.u32 $0x3, v15;
	v6 =	vadd.s32 s3, v2;
	v21 =	vld.idx.msk [tilespmem:v9+s2+$0x0], $0xffff  }
0xa8: {  	v19 =	vadd.s32 s26, v0;
	v10 =	vld.idx.msk [tilespmem:v10+s2+$0x0], $0xffff  }
0xa9: {  	v15 =	vadd.s32 s2, v15;
	v14 =	vld.idx.msk [tilespmem:v14+s2+$0x0], $0xffff  }
0xaa: {  	v20 =	vadd.s32 s29, v0;
	v22 =	vld.idx.msk [tilespmem:v7+s2+$0x0], $0xffff  }
0xab: {  	v23 =	vadd.s32 $0x2, v9;
	v9 =	vadd.s32 $0x1, v13;
	v7 =	vadd.s32 $0x2, v13;
	v13 =	vld.idx.msk [tilespmem:v13+s2+$0x0], $0xffff  }
0xac: {  	v25 =	vadd.s32 $0x1, v15;
	v6 =	vld.idx.msk [tilespmem:v6+s2+$0x0], $0xffff;
	v24 =	vsub.f32 v8, v18  }
0xad: {  	v8 =	vld.idx.msk [tilespmem:v19+s2+$0x0], $0xffff;
	v18 =	vadd.s32 $0x2, v15;
	v17 =	vsub.f32 v17, v10  }
0xae: {  	v15 =	vld.idx.msk [tilespmem:v15+s2+$0x0], $0xffff;
	v14 =	vsub.f32 v11, v14;
	v19 =	vmul.f32 v24, v24  }
0xaf: {  	v12 =	vsub.f32 v12, v21;
	v10 =	vld.idx.msk [tilespmem:v20+s2+$0x0], $0xffff;
	v20 =	vand.u32 $0x7FFFFFFF, v17;
	v17 =	vmul.f32 v17, v17  }
0xb0: {  	v11 =	vmul.f32 v14, v14;
	v21 =	vmul.f32 v19, v19;
	v19 =	vsub.f32 v16, v22;
	v16 =	vld.idx.msk [tilespmem:v23+s2+$0x0], $0xffff  }
0xb1: {  	s28 =	simm.s32 $0x1800;
	s26 =	simm.s32 $0x18800;
	v24 =	vand.u32 $0x7FFFFFFF, v24;
	v23 =	vmul.f32 v12, v12;
	v22 =	vmul.f32 v17, v17;
	v17 =	vld.idx.msk [tilespmem:v25+s2+$0x0], $0xffff  }
.LBB2_2:
0xb2: {  	v21 =	vmul.f32 v21, v24;
	v18 =	vld.idx.msk [tilespmem:v18+s2+$0x0], $0xffff;
	s24 =	sadd.s32 $0x80, s24;
	s23 =	sadd.s32 $0x40, s23;
	s25 =	sadd.s32 $0x40, s25  }
0xb3: {  	p0 =	sne.s32 s28, $0xA800;
	s31 =	smov.u32 s28;
	s28 =	sadd.s32 $0x1800, s28;
	v20 =	vmul.f32 v22, v20;
	v22 =	vmul.f32 v23, v23;
	v9 =	vld.idx.msk [tilespmem:v9+s2+$0x0], $0xffff;
	v23 =	vadd.s32 s29, v2  }
0xb4: {  	v24 =	vmul.f32 v19, v19;
	v14 =	vand.u32 $0x7FFFFFFF, v14;
	v10 =	vsub.f32 v10, v13;
	v7 =	vld.idx.msk [tilespmem:v7+s2+$0x0], $0xffff  }
0xb5: {  	v19 =	vand.u32 $0x7FFFFFFF, v19;
	v8 =	vsub.f32 v8, v15;
	v13 =	vadd.f32 v20, v21  }
0xb6: {  	v12 =	vand.u32 $0x7FFFFFFF, v12;
	v6 =	vsub.f32 v6, v16;
	v15 =	vand.u32 $0x7FFFFFFF, v10  }
0xb7: {  	v10 =	vmul.f32 v10, v10;
	v16 =	vand.u32 $0x7FFFFFFF, v8;
	v5 =	vsub.f32 v5, v17  }
0xb8: {  	v11 =	vmul.f32 v11, v11;
	v8 =	vmul.f32 v8, v8;
	v4 =	vsub.f32 v4, v18;
	v17 =	vld.idx.msk [tilespmem:v23+s2+$0x0], $0xffff  }
0xb9: {  	v12 =	vmul.f32 v22, v12;
	v10 =	vmul.f32 v10, v10;
	v3 =	vsub.f32 v3, v9  }
0xba: {  	v9 =	vmul.f32 v11, v14;
	v11 =	vmul.f32 v6, v6;
	v14 =	vand.u32 $0x7FFFFFFF, v5  }
0xbb: {  	v18 =	vmul.f32 v24, v24;
	v6 =	vand.u32 $0x7FFFFFFF, v6;
	v20 =	vmul.f32 v4, v4  }
0xbc: {  	v5 =	vmul.f32 v5, v5;
	v9 =	vadd.f32 v9, v12;
	v12 =	vmul.f32 v3, v3  }
0xbd: {  	v18 =	vmul.f32 v18, v19;
	v4 =	vand.u32 $0x7FFFFFFF, v4;
	v19 =	vmul.f32 v20, v20  }
0xbe: {  	v11 =	vmul.f32 v11, v11;
	v5 =	vmul.f32 v5, v5;
	v7 =	vsub.f32 v17, v7  }
0xbf: {  	v8 =	vmul.f32 v8, v8;
	v13 =	vadd.f32 v18, v13;
	v4 =	vmul.f32 v19, v4  }
0xc0: {  	v3 =	vand.u32 $0x7FFFFFFF, v3;
	v6 =	vmul.f32 v11, v6;
	v11 =	vmul.f32 v7, v7  }
0xc1: {  	v8 =	vmul.f32 v8, v16;
	v12 =	vmul.f32 v12, v12  }
0xc2: {  	v5 =	vmul.f32 v5, v14;
	v6 =	vadd.f32 v6, v9;
	v9 =	vmul.f32 v10, v15  }
0xc3: {  	v3 =	vmul.f32 v12, v3;
	v10 =	vmul.f32 v11, v11  }
0xc4: {  	v5 =	vadd.f32 v5, v8;
	v7 =	vand.u32 $0x7FFFFFFF, v7  }
0xc5: {  	v6 =	vadd.f32 v6, v13;
	v7 =	vmul.f32 v10, v7  }
0xc6: {  	v4 =	vadd.f32 v4, v5;
	v3 =	vadd.f32 v3, v9;
	_ =	sdelay $0x1  }
0xc7: {  	v4 =	vadd.f32 v4, v6;
	v3 =	vadd.f32 v7, v3;
	_ =	sdelay $0x1  }
0xc8: {  	s7 =	sadd.s32 s31, s22;
	v3 =	vadd.f32 v3, v4  }
0xc9: {  	s8 =	sadd.s32 $0x30, s7;
	s9 =	sadd.s32 $0x60, s7;
	s6 =	sadd.s32 $0x90, s7  }
0xca: {  	s5 =	sadd.s32 $0xC000, s7;
	s3 =	sadd.s32 $0xC060, s7;
	s29 =	sadd.s32 $0xC090, s7;
	v5 =	vadd.s32 s9, v2;
	v6 =	vadd.s32 s6, v0;
	v4 =	vadd.s32 s8, v1;
	[tilespmem:s26+$0x0] =	vst v3  }
0xcb: {  	s4 =	sadd.s32 $0xC030, s7;
	v8 =	vadd.s32 s6, v1;
	v3 =	vor.u32 s7, v2;
	s26 =	smov.u32 s24;
	v7 =	vld [tilespmem:s23+$0xFFFFFFF0]  }
0xcc: {  	v10 =	vor.u32 s7, v1;
	v9 =	vld [tilespmem:s23+$0xFFFFFFE0]  }
0xcd: {  	v11 =	vld [tilespmem:s23+$0x10]  }
0xce: {  	v12 =	vor.u32 s7, v0;
	v13 =	vld [tilespmem:s23+$0x0]  }
0xcf: {  	v6 =	vld.idx.msk [tilespmem:v6+s2+$0x0], $0xffff  }
0xd0: {  	v14 =	vadd.s32 s8, v2;
	v7 =	vmul.u32 $0x3, v7;
	v4 =	vld.idx.msk [tilespmem:v4+s2+$0x0], $0xffff  }
0xd1: {  	v15 =	vadd.s32 s8, v0;
	s7 =	sadd.s32 $0xC000, s31;
	v9 =	vmul.u32 $0x3, v9;
	v3 =	vld.idx.msk [tilespmem:v3+s2+$0x0], $0xffff  }
0xd2: {  	v10 =	vld.idx.msk [tilespmem:v10+s2+$0x0], $0xffff;
	v7 =	vadd.s32 s7, v7  }
0xd3: {  	v9 =	vadd.s32 s7, v9;
	v12 =	vld.idx.msk [tilespmem:v12+s2+$0x0], $0xffff;
	v16 =	vadd.s32 $0x1, v7;
	v17 =	vadd.s32 $0x2, v7  }
0xd4: {  	v18 =	vadd.s32 $0x1, v9;
	v19 =	vadd.s32 $0x2, v9;
	v5 =	vld.idx.msk [tilespmem:v5+s2+$0x0], $0xffff  }
0xd5: {  	v14 =	vld.idx.msk [tilespmem:v14+s2+$0x0], $0xffff  }
0xd6: {  	v15 =	vld.idx.msk [tilespmem:v15+s2+$0x0], $0xffff  }
0xd7: {  	v13 =	vmul.u32 $0x3, v13;
	v7 =	vld.idx.msk [tilespmem:v7+s2+$0x0], $0xffff  }
0xd8: {  	v20 =	vadd.s32 s9, v1;
	v17 =	vld.idx.msk [tilespmem:v17+s2+$0x0], $0xffff  }
0xd9: {  	v21 =	vadd.s32 s9, v0;
	v11 =	vmul.u32 $0x3, v11;
	v13 =	vadd.s32 s7, v13;
	v19 =	vld.idx.msk [tilespmem:v19+s2+$0x0], $0xffff  }
0xda: {  	v22 =	vadd.s32 $0x1, v13;
	v23 =	vadd.s32 $0x2, v13;
	v9 =	vld.idx.msk [tilespmem:v9+s2+$0x0], $0xffff  }
0xdb: {  	v11 =	vadd.s32 s7, v11;
	v18 =	vld.idx.msk [tilespmem:v18+s2+$0x0], $0xffff  }
0xdc: {  	v24 =	vadd.s32 $0x1, v11;
	v25 =	vadd.s32 $0x2, v11;
	v16 =	vld.idx.msk [tilespmem:v16+s2+$0x0], $0xffff  }
0xdd: {  	v7 =	vsub.f32 v15, v7;
	v15 =	vld.idx.msk [tilespmem:v20+s2+$0x0], $0xffff;
	v20 =	vadd.s32 s6, v2  }
0xde: {  	v14 =	vsub.f32 v14, v17;
	v17 =	vld.idx.msk [tilespmem:v21+s2+$0x0], $0xffff  }
0xdf: {  	v21 =	vmul.f32 v7, v7;
	v22 =	vld.idx.msk [tilespmem:v22+s2+$0x0], $0xffff  }
0xe0: {  	v9 =	vsub.f32 v12, v9;
	v12 =	vmul.f32 v14, v14;
	v11 =	vld.idx.msk [tilespmem:v11+s2+$0x0], $0xffff  }
0xe1: {  	v3 =	vsub.f32 v3, v19;
	v10 =	vsub.f32 v10, v18;
	v18 =	vld.idx.msk [tilespmem:v25+s2+$0x0], $0xffff  }
0xe2: {  	v19 =	vmul.f32 v9, v9;
	v4 =	vsub.f32 v4, v16;
	v12 =	vmul.f32 v12, v12;
	v16 =	vld.idx.msk [tilespmem:v20+s2+$0x0], $0xffff  }
0xe3: {  	v9 =	vand.u32 $0x7FFFFFFF, v9;
	v25 =	vmul.f32 v3, v3;
	v20 =	vmul.f32 v10, v10;
	v13 =	vld.idx.msk [tilespmem:v13+s2+$0x0], $0xffff  }
0xe4: {  	v21 =	vmul.f32 v21, v21;
	v10 =	vand.u32 $0x7FFFFFFF, v10;
	v26 =	vmul.f32 v4, v4;
	v23 =	vld.idx.msk [tilespmem:v23+s2+$0x0], $0xffff  }
0xe5: {  	v7 =	vand.u32 $0x7FFFFFFF, v7;
	v25 =	vmul.f32 v25, v25;
	v20 =	vmul.f32 v20, v20;
	v24 =	vld.idx.msk [tilespmem:v24+s2+$0x0], $0xffff  }
0xe6: {  	v3 =	vand.u32 $0x7FFFFFFF, v3;
	v7 =	vmul.f32 v21, v7;
	v21 =	vmul.f32 v26, v26  }
0xe7: {  	v14 =	vand.u32 $0x7FFFFFFF, v14;
	v3 =	vmul.f32 v25, v3;
	v10 =	vmul.f32 v20, v10;
	v8 =	vld.idx.msk [tilespmem:v8+s2+$0x0], $0xffff  }
0xe8: {  	v4 =	vand.u32 $0x7FFFFFFF, v4;
	v12 =	vmul.f32 v12, v14;
	v14 =	vsub.f32 v16, v18  }
0xe9: {  	v15 =	vsub.f32 v15, v22;
	v4 =	vmul.f32 v21, v4;
	v13 =	vsub.f32 v17, v13  }
0xea: {  	v6 =	vsub.f32 v6, v11;
	v5 =	vsub.f32 v5, v23;
	v11 =	vmul.f32 v14, v14  }
0xeb: {  	v16 =	vmul.f32 v19, v19;
	v4 =	vadd.f32 v4, v7;
	v7 =	vmul.f32 v13, v13  }
0xec: {  	v17 =	vand.u32 $0x7FFFFFFF, v15;
	v15 =	vmul.f32 v15, v15;
	v18 =	vmul.f32 v5, v5  }
0xed: {  	v4 =	vadd.f32 v12, v4;
	v7 =	vmul.f32 v7, v7;
	v8 =	vsub.f32 v8, v24  }
0xee: {  	v9 =	vmul.f32 v16, v9;
	v12 =	vand.u32 $0x7FFFFFFF, v13;
	v13 =	vmul.f32 v18, v18  }
0xef: {  	v16 =	vand.u32 $0x7FFFFFFF, v6;
	v15 =	vmul.f32 v15, v15;
	v18 =	vmul.f32 v8, v8  }
0xf0: {  	v9 =	vadd.f32 v10, v9;
	v5 =	vand.u32 $0x7FFFFFFF, v5;
	v7 =	vmul.f32 v7, v12  }
0xf1: {  	v8 =	vand.u32 $0x7FFFFFFF, v8;
	v5 =	vmul.f32 v13, v5;
	v10 =	vmul.f32 v18, v18  }
0xf2: {  	v6 =	vmul.f32 v6, v6;
	v12 =	vmul.f32 v15, v17  }
0xf3: {  	v3 =	vadd.f32 v3, v9;
	v8 =	vmul.f32 v10, v8  }
0xf4: {  	v6 =	vmul.f32 v6, v6;
	v9 =	vmul.f32 v11, v11;
	v7 =	vadd.f32 v12, v7  }
0xf5: {  	v3 =	vadd.f32 v4, v3;
	v4 =	vand.u32 $0x7FFFFFFF, v14  }
0xf6: {  	v6 =	vmul.f32 v6, v16;
	v4 =	vmul.f32 v9, v4;
	v5 =	vadd.f32 v5, v7;
	_ =	sdelay $0x1  }
0xf7: {  	v3 =	vadd.f32 v5, v3;
	v5 =	vadd.f32 v8, v6;
	_ =	sdelay $0x1  }
0xf8: {  	v4 =	vadd.f32 v4, v5;
	_ =	sdelay $0x1  }
0xf9: {  	v3 =	vadd.f32 v4, v3;
	v4 =	vadd.s32 s3, v2  }
0xfa: {  	v5 =	vadd.s32 s29, v1  }
0xfb: {  	v6 =	vadd.s32 s3, v1;
	[tilespmem:s24+$0xFFFFFC00] =	vst v3  }
0xfc: {  	v8 =	vor.u32 s5, v2;
	v7 =	vld [tilespmem:s25+$0xFFFFFFE0]  }
0xfd: {  	v10 =	vadd.s32 s4, v0;
	v9 =	vld [tilespmem:s25+$0xFFFFFFF0]  }
0xfe: {  	v11 =	vadd.s32 s4, v1;
	v4 =	vld.idx.msk [tilespmem:v4+s2+$0x0], $0xffff  }
0xff: {  	v3 =	vld.idx.msk [tilespmem:v5+s2+$0x0], $0xffff  }
0x100: {  	v5 =	vld.idx.msk [tilespmem:v6+s2+$0x0], $0xffff  }
0x101: {  	v6 =	vmul.u32 $0x3, v7;
	v7 =	vor.u32 s5, v1;
	v16 =	vld.idx.msk [tilespmem:v8+s2+$0x0], $0xffff  }
0x102: {  	v8 =	vor.u32 s5, v0;
	v9 =	vmul.u32 $0x3, v9;
	v12 =	vld.idx.msk [tilespmem:v10+s2+$0x0], $0xffff  }
0x103: {  	v6 =	vadd.s32 s31, v6;
	v11 =	vld.idx.msk [tilespmem:v11+s2+$0x0], $0xffff  }
0x104: {  	v10 =	vadd.s32 $0x1, v6;
	v13 =	vadd.s32 $0x2, v6;
	v14 =	vadd.s32 s31, v9;
	v9 =	vld [tilespmem:s25+$0x10]  }
0x105: {  	v15 =	vadd.s32 $0x1, v14;
	v17 =	vld [tilespmem:s25+$0x0]  }
0x106: {  	v19 =	vld.idx.msk [tilespmem:v7+s2+$0x0], $0xffff  }
0x107: {  	v8 =	vld.idx.msk [tilespmem:v8+s2+$0x0], $0xffff  }
0x108: {  	v20 =	vld.idx.msk [tilespmem:v6+s2+$0x0], $0xffff;
	v6 =	vadd.s32 s4, v2  }
0x109: {  	v21 =	vadd.s32 s3, v0;
	v10 =	vld.idx.msk [tilespmem:v10+s2+$0x0], $0xffff;
	v7 =	vmul.u32 $0x3, v9  }
0x10a: {  	v15 =	vld.idx.msk [tilespmem:v15+s2+$0x0], $0xffff;
	v9 =	vmul.u32 $0x3, v17;
	v17 =	vadd.s32 s29, v0  }
0x10b: {  	v22 =	vld.idx.msk [tilespmem:v14+s2+$0x0], $0xffff;
	v23 =	vadd.s32 s31, v7  }
0x10c: {  	v24 =	vld.idx.msk [tilespmem:v13+s2+$0x0], $0xffff;
	v25 =	vadd.s32 s31, v9;
	v9 =	vadd.s32 $0x1, v23;
	v7 =	vadd.s32 $0x2, v23  }
0x10d: {  	v26 =	vadd.s32 $0x2, v14;
	v6 =	vld.idx.msk [tilespmem:v6+s2+$0x0], $0xffff;
	v27 =	vadd.s32 $0x1, v25;
	v18 =	vadd.s32 $0x2, v25  }
0x10e: {  	v28 =	vsub.f32 v8, v20;
	v8 =	vld.idx.msk [tilespmem:v21+s2+$0x0], $0xffff  }
.Ltmp0:
0x10f: {  	v19 =	vsub.f32 v19, v10;
	v10 =	vld.idx.msk [tilespmem:v17+s2+$0x0], $0xffff;
	(pc) =	sbr.rel @p0 .LBB2_2-.Ltmp0, $4  }
0x110: {  	v17 =	vmul.f32 v28, v28;
	v14 =	vsub.f32 v11, v15;
	v13 =	vld.idx.msk [tilespmem:v23+s2+$0x0], $0xffff  }
0x111: {  	v20 =	vand.u32 $0x7FFFFFFF, v19;
	v23 =	vmul.f32 v19, v19;
	v12 =	vsub.f32 v12, v22;
	v15 =	vld.idx.msk [tilespmem:v25+s2+$0x0], $0xffff  }
0x112: {  	v21 =	vmul.f32 v17, v17;
	v19 =	vsub.f32 v16, v24;
	v11 =	vmul.f32 v14, v14;
	v16 =	vld.idx.msk [tilespmem:v26+s2+$0x0], $0xffff  }
0x113: {  	v24 =	vand.u32 $0x7FFFFFFF, v28;
	v22 =	vmul.f32 v23, v23;
	v23 =	vmul.f32 v12, v12;
	v17 =	vld.idx.msk [tilespmem:v27+s2+$0x0], $0xffff  }
0x114: {  	_ =	sdelay $0x1  }
0x115: {  	v21 =	vmul.f32 v21, v24;
	v46 =	vadd.s32 s29, v2;
	v47 =	vmul.f32 v19, v19  }
0x116: {  	v14 =	vand.u32 $0x7FFFFFFF, v14;
	v49 =	vand.u32 $0x7FFFFFFF, v19;
	v11 =	vmul.f32 v11, v11  }
0x117: {  	v18 =	vld.idx.msk [tilespmem:v18+s2+$0x0], $0xffff;
	v12 =	vand.u32 $0x7FFFFFFF, v12;
	v20 =	vmul.f32 v22, v20;
	v45 =	vmul.f32 v23, v23  }
0x118: {  	v9 =	vld.idx.msk [tilespmem:v9+s2+$0x0], $0xffff;
	v10 =	vsub.f32 v10, v13;
	v8 =	vsub.f32 v8, v15;
	v11 =	vmul.f32 v11, v14  }
0x119: {  	v54 =	vmul.f32 v47, v47;
	v48 =	vadd.f32 v20, v21;
	v6 =	vsub.f32 v6, v16  }
0x11a: {  	v50 =	vand.u32 $0x7FFFFFFF, v10;
	v10 =	vmul.f32 v10, v10;
	v12 =	vmul.f32 v45, v12  }
0x11b: {  	v7 =	vld.idx.msk [tilespmem:v7+s2+$0x0], $0xffff;
	v5 =	vsub.f32 v5, v17;
	v51 =	vmul.f32 v8, v8;
	v8 =	vand.u32 $0x7FFFFFFF, v8  }
0x11c: {  	v14 =	vmul.f32 v54, v49;
	v4 =	vsub.f32 v4, v18;
	v52 =	vld.idx.msk [tilespmem:v46+s2+$0x0], $0xffff;
	v10 =	vmul.f32 v10, v10  }
0x11d: {  	v3 =	vsub.f32 v3, v9;
	v53 =	vmul.f32 v6, v6;
	v6 =	vand.u32 $0x7FFFFFFF, v6  }
0x11e: {  	v58 =	vadd.f32 v11, v12;
	v55 =	vmul.f32 v5, v5;
	v16 =	vmul.f32 v51, v51  }
0x11f: {  	v5 =	vand.u32 $0x7FFFFFFF, v5;
	v18 =	vmul.f32 v4, v4;
	v56 =	vmul.f32 v3, v3  }
0x120: {  	v60 =	vadd.f32 v14, v48;
	v9 =	vmul.f32 v53, v53;
	v57 =	vmul.f32 v55, v55  }
0x121: {  	v8 =	vmul.f32 v16, v8;
	v18 =	vmul.f32 v18, v18;
	v7 =	vsub.f32 v52, v7  }
0x122: {  	v4 =	vand.u32 $0x7FFFFFFF, v4;
	v6 =	vmul.f32 v9, v6;
	v61 =	vmul.f32 v56, v56  }
0x123: {  	v3 =	vand.u32 $0x7FFFFFFF, v3;
	v5 =	vmul.f32 v57, v5;
	v59 =	vmul.f32 v7, v7  }
0x124: {  	v62 =	vmul.f32 v10, v50;
	v4 =	vmul.f32 v18, v4;
	v6 =	vadd.f32 v6, v58  }
0x125: {  	v3 =	vmul.f32 v61, v3;
	v5 =	vadd.f32 v5, v8;
	v63 =	vmul.f32 v59, v59  }
0x126: {  	v7 =	vand.u32 $0x7FFFFFFF, v7;
	v6 =	vadd.f32 v6, v60  }
0x127: {  	v3 =	vadd.f32 v3, v62;
	v4 =	vadd.f32 v4, v5;
	v7 =	vmul.f32 v63, v7;
	_ =	sdelay $0x1  }
0x128: {  	v4 =	vadd.f32 v4, v6;
	v3 =	vadd.f32 v7, v3;
	_ =	sdelay $0x1  }
0x129: {  	s1 =	sadd.s32 $0x1, s1;
	v3 =	vadd.f32 v3, v4  }
0x12a: {  	p0 =	sne.s32 s1, s21  }
.Ltmp1:
0x12b: {  	s3 =	simm.s32 $0x18400;
	[tilespmem:s26+$0x0] =	vst v3;
	(pc) =	sbr.rel @p0 .LBB2_1-.Ltmp1, $4  }
0x12c: {  	[hbm4b:s20+s2] =	stream.linear.scatter [tilespmem:s3], [sflag:$0x2], $0x800, $0x38;
	[tilespmem:$0x18C00] =	vst v63  }
0x12d: {  	_ =	swait.ge [sflag:s0], $0x800  }
0x12e: {  	[sflag:s0] =	ssyncset.done $0x0  }
0x12f: {  	[sflag:s0] =	ssyncadd.s32 $0xFFFFF800  }
0x130: {  	_ =	sfence.sel $0x180000  }
0x131: {  	[bflag:$0x0] =	sbarrier.arrive $0xFFFF  }
0x132: {  	_ =	strace $0x90000047  }
0x133: {  	s0 =	stileid.u32;
	[bflag:$0x2] =	sbarrier.arrive $0xFFFF  }
0x134: {  	p0 =	sne.s32 s0, $0x0;
	s0 =	rddreg [dreg:$0x1]  }
0x135: {  	s0 =	sadd.s32 @!p0 $0x100000, s0  }
0x136: {  	[sflag:s0] =	ssyncadd.tile.s32 @!p0 $0x1;
	_ =	shalt  }
.Lfunc_end2:
_tile_overlayer_lowered:
.L_overlay_start_2:
0x137: {  	(tag) =	ssettag $0x2  }
0x138: {  	s0 =	rddreg [dreg:$0x0];
	s2 =	stileid.u32  }
0x139: {  	s1 =	rddreg [dreg:$0x1];
	p0 =	sne.s32 s2, $0x0  }
0x13a: {  	s3 =	rddreg [dreg:$0x2];
	[bflag:$0x3] =	sbarrier.arrive $0xFFFF;
	s2 =	simm.s32 @!p0 $0x1C02  }
0x13b: {  	[timem:s3], [sflag:s2] =	dma.local @!p0 [hbm:s0], s1  }
0x13c: {  	s0 =	simm.s32 @!p0 $0x2  }
0x13d: {  	_ =	swait.ge @!p0 [sflag:s0], s1  }
0x13e: {  	s1 =	ssub.s32 @!p0 $0x0, s1;
	[sflag:s0] =	ssyncset.done @!p0 $0x0  }
0x13f: {  	[sflag:s0] =	ssyncadd.s32 @!p0 s1  }
0x140: {  	[bflag:$0x3] =	sbarrier.arrive $0xFFFF  }
0x141: {  	_ =	shalt  }

</sc_bundles>
